<compile_context>
chip_gen: v7x
topology: tpu7x:2x2x1
jax: 0.10.2.dev20260603
libtpu: 0.0.44.dev20260713+nightly
codegen_flags: <defaults>
</compile_context>

<pallas_src>
import functools

import jax
import jax.numpy as jnp
from jax import lax
from jax.experimental import pallas as pl
from jax.experimental.pallas import tpu as pltpu
from jax.experimental.pallas import tpu_sc as plsc

_N = 4096
_VOCAB = 100000
_EDIM = 64
_WFEAT = 64
_LABELS = 2
_SLOPE = 0.01
_HV = _VOCAB // 2
_BR = 512
_NSTRIPS = _N // _BR

_NC = 2
_NS = 16
_NW = _NC * _NS
_BPW = _N // _NW
_L = 16


def _sc_gather_body(table_hbm, idx_hbm, out_hbm, idx_v, rows_v, sem):
    wid = lax.axis_index("s") * _NC + lax.axis_index("c")
    base = wid * _BPW
    pltpu.sync_copy(idx_hbm.at[pl.ds(base, _BPW)], idx_v)
    lanes = lax.iota(jnp.int32, _L)

    def _fire(g, carry):
        v = idx_v[pl.ds(g * _L, _L)]
        vd = v // _HV
        vq = v % _HV
        for l in range(_L):
            d = jnp.sum(jnp.where(lanes == l, vd, 0))
            q = jnp.sum(jnp.where(lanes == l, vq, 0))
            pltpu.make_async_copy(
                table_hbm.at[d, pl.ds(q, 1), :],
                rows_v.at[pl.ds(g * _L + l, 1), :], sem).start()
        return carry

    lax.fori_loop(0, _BPW // _L, _fire, 0)

    def _drain(g, carry):
        pltpu.make_async_copy(
            table_hbm.at[0, pl.ds(0, 1), :],
            rows_v.at[pl.ds(0, 1), :], sem).wait()
        return carry

    lax.fori_loop(0, _BPW, _drain, 0)
    pltpu.sync_copy(rows_v, out_hbm.at[pl.ds(base, _BPW)])


def _sc_gather(table3, idx):
    mesh = plsc.VectorSubcoreMesh(core_axis_name="c", subcore_axis_name="s")
    fn = functools.partial(
        pl.kernel,
        mesh=mesh,
        out_type=jax.ShapeDtypeStruct((_N, _EDIM), jnp.float32),
        scratch_types=[
            pltpu.VMEM((_BPW,), jnp.int32),
            pltpu.VMEM((_BPW, _EDIM), jnp.float32),
            pltpu.SemaphoreType.DMA,
        ],
        compiler_params=pltpu.CompilerParams(needs_layout_passes=False),
    )(_sc_gather_body)
    return fn(table3, idx)


def _tc_body(adj_ref, words_ref, w_ref, a1_ref, a2r_ref, wc_ref, bc_ref,
             att_ref, sent_ref, pool_ref, label_ref, wh_s, f2r_s, pool_s):
    i = pl.program_id(0)

    @pl.when(i == 0)
    def _init():
        wh = jnp.dot(words_ref[...], w_ref[...],
                     preferred_element_type=jnp.float32)
        wh_s[...] = wh
        f2r_s[...] = lax.dot_general(
            a2r_ref[...], wh, (((1,), (1,)), ((), ())),
            preferred_element_type=jnp.float32)
        pool_s[...] = jnp.zeros_like(pool_s)

    row0 = pl.multiple_of(i * _BR, _BR)
    wh_strip = wh_s[pl.ds(row0, _BR), :]
    f1 = jnp.dot(wh_strip, a1_ref[...],
                 preferred_element_type=jnp.float32)
    e = f1 + f2r_s[...]
    e = jnp.maximum(e, _SLOPE * e)
    e = jnp.where(adj_ref[...] > 0, e, jnp.float32(-9e15))
    m = jnp.max(e, axis=1, keepdims=True)
    p = jnp.exp(e - m)
    s = jnp.sum(p, axis=1, keepdims=True)
    att = p / s
    att_ref[...] = att
    h = jnp.dot(att, wh_s[...], preferred_element_type=jnp.float32)
    sent = jnp.where(h > 0, h, jnp.exp(h) - 1.0)
    sent_ref[...] = sent
    pool_s[...] += jnp.sum(sent, axis=0, keepdims=True)

    @pl.when(i == _NSTRIPS - 1)
    def _fin():
        pool = pool_s[...] / jnp.float32(_N)
        pool_ref[...] = pool
        logits = jnp.dot(pool, wc_ref[...],
                         preferred_element_type=jnp.float32) + bc_ref[...]
        lm = jnp.max(logits, axis=1, keepdims=True)
        ex = jnp.exp(logits - lm)
        label_ref[...] = ex / jnp.sum(ex, axis=1, keepdims=True)


def _tc_main(adj, words, W, a1, a2r, Wc, bcr):
    return pl.pallas_call(
        _tc_body,
        grid=(_NSTRIPS,),
        in_specs=[
            pl.BlockSpec((_BR, _N), lambda i: (i, 0)),
            pl.BlockSpec((_N, _EDIM), lambda i: (0, 0)),
            pl.BlockSpec((_EDIM, _WFEAT), lambda i: (0, 0)),
            pl.BlockSpec((_WFEAT, 1), lambda i: (0, 0)),
            pl.BlockSpec((1, _WFEAT), lambda i: (0, 0)),
            pl.BlockSpec((_WFEAT, _LABELS), lambda i: (0, 0)),
            pl.BlockSpec((1, _LABELS), lambda i: (0, 0)),
        ],
        out_specs=[
            pl.BlockSpec((_BR, _N), lambda i: (i, 0)),
            pl.BlockSpec((_BR, _WFEAT), lambda i: (i, 0)),
            pl.BlockSpec((1, _WFEAT), lambda i: (0, 0)),
            pl.BlockSpec((1, _LABELS), lambda i: (0, 0)),
        ],
        out_shape=[
            jax.ShapeDtypeStruct((_N, _N), jnp.float32),
            jax.ShapeDtypeStruct((_N, _WFEAT), jnp.float32),
            jax.ShapeDtypeStruct((1, _WFEAT), jnp.float32),
            jax.ShapeDtypeStruct((1, _LABELS), jnp.float32),
        ],
        scratch_shapes=[
            pltpu.VMEM((_N, _WFEAT), jnp.float32),
            pltpu.VMEM((1, _N), jnp.float32),
            pltpu.VMEM((1, _WFEAT), jnp.float32),
        ],
        compiler_params=pltpu.CompilerParams(
            dimension_semantics=("arbitrary",),
            vmem_limit_bytes=100 * 1024 * 1024),
    )(adj, words, W, a1, a2r, Wc, bcr)


def kernel(inSen, adj, emb, W, a, Wc, bc):
    idx = inSen.astype(jnp.int32)
    words = _sc_gather(emb.reshape(2, _HV, _EDIM), idx)
    a1 = a[:_WFEAT]
    a2r = a[_WFEAT:].reshape(1, _WFEAT)
    bcr = bc.reshape(1, _LABELS)
    att, sent, pool, label = _tc_main(adj, words, W, a1, a2r, Wc, bcr)
    return (pool.reshape(_WFEAT), att, sent, label.reshape(_LABELS))

# --- scband reference (transcript-rebuilt; emitter-appended) ---
"""Pipeline reference for scband-sentence-encoder-11630771437811 (READ-ONLY COPY).

The authoritative reference and input builder live on the scoring server;
editing this copy changes nothing except your own understanding.
"""

import jax, jax.numpy as jnp
import numpy as np

N = 4096
VOCAB = 100000
EDIM = 64
WFEAT = 64
LABELS = 2
SLOPE = 0.01


def setup_inputs(seed: int = 0) -> dict:
    key = jax.random.key(seed)
    ks = jax.random.split(key, 8)
    inSen = jax.random.randint(ks[0], (N,), 0, VOCAB)
    adj = jax.random.uniform(ks[1], (N, N), dtype=jnp.float32)
    emb = jax.random.normal(ks[2], (VOCAB, EDIM), dtype=jnp.float32)
    W = jax.random.normal(ks[3], (EDIM, WFEAT), dtype=jnp.float32) * (1.0 / np.sqrt(EDIM))
    a = jax.random.normal(ks[4], (2 * WFEAT, 1), dtype=jnp.float32) * 0.1
    Wc = jax.random.normal(ks[5], (WFEAT, LABELS), dtype=jnp.float32) * (1.0 / np.sqrt(WFEAT))
    bc = jnp.zeros((LABELS,), dtype=jnp.float32)
    return {"inSen": inSen, "adj": adj, "emb": emb, "W": W, "a": a, "Wc": Wc, "bc": bc}


def reference(inSen, adj, emb, W, a, Wc, bc):
    # embedding lookup (SparseCore gather)
    words = jnp.take(emb, inSen, axis=0)  # [N, EDIM]
    # GAT layer (dense adjacency, pyGAT-style)
    Wh = words @ W  # [N, WFEAT]
    f1 = Wh @ a[:WFEAT]  # [N, 1]
    f2 = Wh @ a[WFEAT:]  # [N, 1]
    e = jax.nn.leaky_relu(f1 + f2.T, negative_slope=SLOPE)  # [N, N]
    e = jnp.where(adj > 0, e, jnp.float32(-9e15))
    attention = jax.nn.softmax(e, axis=1)
    h = attention @ Wh  # [N, WFEAT]
    sentence = jax.nn.elu(h)
    # mean pool over nodes (dim=0)
    pool = jnp.mean(sentence, axis=0)  # [WFEAT]
    label = jax.nn.softmax(pool @ Wc + bc, axis=0)  # [LABELS]
    return (pool, attention, sentence, label)

if __name__ == "__main__":
    import jax
    _d = setup_inputs()
    print(jax.jit(kernel)(*tuple(_d.values())))

</pallas_src>

<mosaic_0001>
#map = affine_map<(d0, d1) -> (0, 0, 0)>
#map1 = affine_map<(d0, d1) -> (0)>
#map2 = affine_map<(d0, d1) -> (0, 0)>
module attributes {stable_mosaic.version = 14 : i64} {
  func.func @_sc_gather_body(%arg0: i32, %arg1: i32, %arg2: memref<2x50000x64xf32, #tpu.memory_space<hbm>>, %arg3: memref<4096xi32, #tpu.memory_space<hbm>>, %arg4: memref<4096x64xf32, #tpu.memory_space<hbm>>, %arg5: memref<128xi32, #tpu.memory_space<vmem>>, %arg6: memref<128x64xf32, #tpu.memory_space<vmem>>, %arg7: memref<!tpu.dma_semaphore, #tpu.memory_space<semaphore_mem>>) attributes {dimension_semantics = [#tpu.dimension_semantics<core_parallel>, #tpu.dimension_semantics<subcore_parallel>], iteration_bounds = array<i64: 2, 16>, scalar_prefetch = 0 : i64, scratch_operands = 3 : i64, tpu.core_type = #tpu.core_type<sc_vector_subcore>, window_params = [{transform_indices = #map}, {transform_indices = #map1}, {transform_indices = #map2}]} {
    %mul3A = arith.constant 2 : i32
    %mul3A_0 = arith.muli %arg1, %mul3A : i32
    %add3A = arith.addi %mul3A_0, %arg0 : i32
    %mul3A_1 = arith.constant 128 : i32
    %mul3A_2 = arith.muli %add3A, %mul3A_1 : i32
    "tpu.region"() ({
      %run_scoped3A = tpu.sem_alloc : memref<!tpu.dma_semaphore, #tpu.memory_space<semaphore_mem>>
      %dma_start3A = tpu.memref_slice %arg3[%mul3A_2] : memref<4096xi32, #tpu.memory_space<hbm>> -> memref<128xi32, #tpu.memory_space<hbm>>
      %dma_start3A_14 = tpu.memref_slice %arg3[%mul3A_2] : memref<4096xi32, #tpu.memory_space<hbm>> -> memref<128xi32, #tpu.memory_space<hbm>>
      tpu.enqueue_dma source(%dma_start3A_14 : memref<128xi32, #tpu.memory_space<hbm>>) target(%arg5 : memref<128xi32, #tpu.memory_space<vmem>>) target_semaphore(%run_scoped3A : memref<!tpu.dma_semaphore, #tpu.memory_space<semaphore_mem>>)
      %dma_wait3A = tpu.memref_slice %arg3[%mul3A_2] : memref<4096xi32, #tpu.memory_space<hbm>> -> memref<128xi32, #tpu.memory_space<hbm>>
      %dma_wait3A_15 = tpu.memref_slice %arg3[%mul3A_2] : memref<4096xi32, #tpu.memory_space<hbm>> -> memref<128xi32, #tpu.memory_space<hbm>>
      tpu.wait_dma2 semaphore(%run_scoped3A : memref<!tpu.dma_semaphore, #tpu.memory_space<semaphore_mem>>) src(%dma_wait3A_15 : memref<128xi32, #tpu.memory_space<hbm>>) dst(%arg5 : memref<128xi32, #tpu.memory_space<vmem>>)
      tpu.yield
    }) : () -> ()
    %iota3A = tpu.iota {dimensions = array<i32: 0>} : vector<16xi32>
    %scan3A = arith.constant 0 : i32
    %scan3A_3 = arith.constant 0 : i32
    %scan3A_4 = arith.constant 8 : i32
    %scan3A_5 = arith.addi %scan3A_3, %scan3A_4 : i32
    %scan3A_6 = arith.constant 1 : i32
    scf.for %scan3A_14 = %scan3A_3 to %scan3A_5 step %scan3A_6  : i32 {
      %mul3A_15 = arith.constant 16 : i32
      %mul3A_16 = arith.muli %scan3A_14, %mul3A_15 : i32
      %get3A = arith.index_cast %mul3A_16 : i32 to index
      %get3A_17 = tpu.vector_load %arg5[%get3A] {strides = array<i32>} : memref<128xi32, #tpu.memory_space<vmem>>, vector<16xi32>,
      %jit3A = arith.constant 50000 : i32
      %div3A = vector.broadcast %jit3A : i32 to vector<16xi32>
      %div3A_18 = arith.divsi %get3A_17, %div3A : vector<16xi32>
      %sign3A = arith.constant 0 : i32
      %sign3A_19 = vector.broadcast %sign3A : i32 to vector<16xi32>
      %sign3A_20 = arith.cmpi sgt, %get3A_17, %sign3A_19 : vector<16xi32>
      %sign3A_21 = arith.extui %sign3A_20 : vector<16xi1> to vector<16xi32>
      %sign3A_22 = arith.constant 0 : i32
      %sign3A_23 = vector.broadcast %sign3A_22 : i32 to vector<16xi32>
      %sign3A_24 = arith.cmpi slt, %get3A_17, %sign3A_23 : vector<16xi32>
      %sign3A_25 = arith.extui %sign3A_24 : vector<16xi1> to vector<16xi32>
      %sign3A_26 = arith.subi %sign3A_21, %sign3A_25 : vector<16xi32>
      %sign3A_27 = arith.constant 0 : i32
      %sign3A_28 = arith.cmpi sgt, %jit3A, %sign3A_27 : i32
      %sign3A_29 = arith.extui %sign3A_28 : i1 to i32
      %sign3A_30 = arith.constant 0 : i32
      %sign3A_31 = arith.cmpi slt, %jit3A, %sign3A_30 : i32
      %sign3A_32 = arith.extui %sign3A_31 : i1 to i32
      %sign3A_33 = arith.subi %sign3A_29, %sign3A_32 : i32
      %ne3A = vector.broadcast %sign3A_33 : i32 to vector<16xi32>
      %ne3A_34 = arith.cmpi ne, %sign3A_26, %ne3A : vector<16xi32>
      %rem3A = vector.broadcast %jit3A : i32 to vector<16xi32>
      %rem3A_35 = arith.remsi %get3A_17, %rem3A : vector<16xi32>
      %ne3A_36 = arith.constant 0 : i32
      %ne3A_37 = vector.broadcast %ne3A_36 : i32 to vector<16xi32>
      %ne3A_38 = arith.cmpi ne, %rem3A_35, %ne3A_37 : vector<16xi32>
      %and3A = arith.andi %ne3A_34, %ne3A_38 : vector<16xi1>
      %sub3A = arith.constant 1 : i32
      %sub3A_39 = vector.broadcast %sub3A : i32 to vector<16xi32>
      %sub3A_40 = arith.subi %div3A_18, %sub3A_39 : vector<16xi32>
      %select_n3A = arith.select %and3A, %sub3A_40, %div3A_18 : vector<16xi1>, vector<16xi32>
      %jit3A_41 = arith.constant 50000 : i32
      %eq3A = arith.constant 0 : i32
      %eq3A_42 = arith.cmpi eq, %jit3A_41, %eq3A : i32
      %jit3A_43 = arith.constant 1 : i32
      %select_n3A_44 = arith.select %eq3A_42, %jit3A_43, %jit3A_41 : i32
      %rem3A_45 = vector.broadcast %select_n3A_44 : i32 to vector<16xi32>
      %rem3A_46 = arith.remsi %get3A_17, %rem3A_45 : vector<16xi32>
      %ne3A_47 = arith.constant 0 : i32
      %ne3A_48 = vector.broadcast %ne3A_47 : i32 to vector<16xi32>
      %ne3A_49 = arith.cmpi ne, %rem3A_46, %ne3A_48 : vector<16xi32>
      %lt3A = arith.constant 0 : i32
      %lt3A_50 = vector.broadcast %lt3A : i32 to vector<16xi32>
      %lt3A_51 = arith.cmpi slt, %rem3A_46, %lt3A_50 : vector<16xi32>
      %lt3A_52 = arith.constant 0 : i32
      %lt3A_53 = arith.cmpi slt, %select_n3A_44, %lt3A_52 : i32
      %ne3A_54 = vector.broadcast %lt3A_53 : i1 to vector<16xi1>
      %ne3A_55 = vector.broadcast %ne3A_54 : vector<16xi1> to vector<16xi1>
      %ne3A_56 = arith.xori %lt3A_51, %ne3A_55 : vector<16xi1>
      %and3A_57 = arith.andi %ne3A_56, %ne3A_49 : vector<16xi1>
      %add3A_58 = vector.broadcast %select_n3A_44 : i32 to vector<16xi32>
      %add3A_59 = arith.addi %rem3A_46, %add3A_58 : vector<16xi32>
      %select_n3A_60 = arith.select %and3A_57, %add3A_59, %rem3A_46 : vector<16xi1>, vector<16xi32>
      %eq3A_61 = arith.constant 0 : i32
      %eq3A_62 = vector.broadcast %eq3A_61 : i32 to vector<16xi32>
      %eq3A_63 = arith.cmpi eq, %iota3A, %eq3A_62 : vector<16xi32>
      %jit3A_64 = arith.constant 0 : i32
      %broadcast_in_dim3A = vector.broadcast %jit3A_64 : i32 to vector<16xi32>
      %select_n3A_65 = arith.select %eq3A_63, %select_n3A, %broadcast_in_dim3A : vector<16xi1>, vector<16xi32>
      %reduce_sum3A = arith.constant true
      %reduce_sum3A_66 = vector.broadcast %reduce_sum3A : i1 to vector<16xi1>
      %reduce_sum3A_67 = tpu.scan <sum>, %select_n3A_65 masked %reduce_sum3A_66 : vector<16xi32>, vector<16xi1> -> vector<16xi32>
      %reduce_sum3A_68 = vector.extract %reduce_sum3A_67[15] : i32 from vector<16xi32>
      %eq3A_69 = arith.constant 0 : i32
      %eq3A_70 = vector.broadcast %eq3A_69 : i32 to vector<16xi32>
      %eq3A_71 = arith.cmpi eq, %iota3A, %eq3A_70 : vector<16xi32>
      %jit3A_72 = arith.constant 0 : i32
      %broadcast_in_dim3A_73 = vector.broadcast %jit3A_72 : i32 to vector<16xi32>
      %select_n3A_74 = arith.select %eq3A_71, %select_n3A_60, %broadcast_in_dim3A_73 : vector<16xi1>, vector<16xi32>
      %reduce_sum3A_75 = arith.constant true
      %reduce_sum3A_76 = vector.broadcast %reduce_sum3A_75 : i1 to vector<16xi1>
      %reduce_sum3A_77 = tpu.scan <sum>, %select_n3A_74 masked %reduce_sum3A_76 : vector<16xi32>, vector<16xi1> -> vector<16xi32>
      %reduce_sum3A_78 = vector.extract %reduce_sum3A_77[15] : i32 from vector<16xi32>
      %mul3A_79 = arith.constant 16 : i32
      %mul3A_80 = arith.muli %scan3A_14, %mul3A_79 : i32
      %add3A_81 = arith.constant 0 : i32
      %add3A_82 = arith.addi %mul3A_80, %add3A_81 : i32
      %dma_start3A = arith.constant 0 : i32
      %dma_start3A_83 = tpu.memref_slice %arg6[%add3A_82, %dma_start3A] : memref<128x64xf32, #tpu.memory_space<vmem>> -> memref<1x64xf32, #tpu.memory_space<vmem>>
      %dma_start3A_84 = arith.constant 0 : i32
      %dma_start3A_85 = tpu.memref_slice %arg2[%reduce_sum3A_68, %reduce_sum3A_78, %dma_start3A_84] : memref<2x50000x64xf32, #tpu.memory_space<hbm>> -> memref<1x1x64xf32, #tpu.memory_space<hbm>>
      %dma_start3A_86 = tpu.memref_squeeze %dma_start3A_85 : memref<1x1x64xf32, #tpu.memory_space<hbm>> -> memref<1x64xf32, #tpu.memory_space<hbm>>
      %dma_start3A_87 = arith.constant 0 : i32
      %dma_start3A_88 = tpu.memref_slice %arg6[%add3A_82, %dma_start3A_87] : memref<128x64xf32, #tpu.memory_space<vmem>> -> memref<1x64xf32, #tpu.memory_space<vmem>>
      %dma_start3A_89 = arith.constant 0 : i32
      %dma_start3A_90 = tpu.memref_slice %arg2[%reduce_sum3A_68, %reduce_sum3A_78, %dma_start3A_89] : memref<2x50000x64xf32, #tpu.memory_space<hbm>> -> memref<1x1x64xf32, #tpu.memory_space<hbm>>
      %dma_start3A_91 = tpu.memref_squeeze %dma_start3A_90 : memref<1x1x64xf32, #tpu.memory_space<hbm>> -> memref<1x64xf32, #tpu.memory_space<hbm>>
      tpu.enqueue_dma source(%dma_start3A_91 : memref<1x64xf32, #tpu.memory_space<hbm>>) target(%dma_start3A_88 : memref<1x64xf32, #tpu.memory_space<vmem>>) target_semaphore(%arg7 : memref<!tpu.dma_semaphore, #tpu.memory_space<semaphore_mem>>)
      %eq3A_92 = arith.constant 1 : i32
      %eq3A_93 = vector.broadcast %eq3A_92 : i32 to vector<16xi32>
      %eq3A_94 = arith.cmpi eq, %iota3A, %eq3A_93 : vector<16xi32>
      %jit3A_95 = arith.constant 0 : i32
      %broadcast_in_dim3A_96 = vector.broadcast %jit3A_95 : i32 to vector<16xi32>
      %select_n3A_97 = arith.select %eq3A_94, %select_n3A, %broadcast_in_dim3A_96 : vector<16xi1>, vector<16xi32>
      %reduce_sum3A_98 = arith.constant true
      %reduce_sum3A_99 = vector.broadcast %reduce_sum3A_98 : i1 to vector<16xi1>
      %reduce_sum3A_100 = tpu.scan <sum>, %select_n3A_97 masked %reduce_sum3A_99 : vector<16xi32>, vector<16xi1> -> vector<16xi32>
      %reduce_sum3A_101 = vector.extract %reduce_sum3A_100[15] : i32 from vector<16xi32>
      %eq3A_102 = arith.constant 1 : i32
      %eq3A_103 = vector.broadcast %eq3A_102 : i32 to vector<16xi32>
      %eq3A_104 = arith.cmpi eq, %iota3A, %eq3A_103 : vector<16xi32>
      %jit3A_105 = arith.constant 0 : i32
      %broadcast_in_dim3A_106 = vector.broadcast %jit3A_105 : i32 to vector<16xi32>
      %select_n3A_107 = arith.select %eq3A_104, %select_n3A_60, %broadcast_in_dim3A_106 : vector<16xi1>, vector<16xi32>
      %reduce_sum3A_108 = arith.constant true
      %reduce_sum3A_109 = vector.broadcast %reduce_sum3A_108 : i1 to vector<16xi1>
      %reduce_sum3A_110 = tpu.scan <sum>, %select_n3A_107 masked %reduce_sum3A_109 : vector<16xi32>, vector<16xi1> -> vector<16xi32>
      %reduce_sum3A_111 = vector.extract %reduce_sum3A_110[15] : i32 from vector<16xi32>
      %mul3A_112 = arith.constant 16 : i32
      %mul3A_113 = arith.muli %scan3A_14, %mul3A_112 : i32
      %add3A_114 = arith.constant 1 : i32
      %add3A_115 = arith.addi %mul3A_113, %add3A_114 : i32
      %dma_start3A_116 = arith.constant 0 : i32
      %dma_start3A_117 = tpu.memref_slice %arg6[%add3A_115, %dma_start3A_116] : memref<128x64xf32, #tpu.memory_space<vmem>> -> memref<1x64xf32, #tpu.memory_space<vmem>>
      %dma_start3A_118 = arith.constant 0 : i32
      %dma_start3A_119 = tpu.memref_slice %arg2[%reduce_sum3A_101, %reduce_sum3A_111, %dma_start3A_118] : memref<2x50000x64xf32, #tpu.memory_space<hbm>> -> memref<1x1x64xf32, #tpu.memory_space<hbm>>
      %dma_start3A_120 = tpu.memref_squeeze %dma_start3A_119 : memref<1x1x64xf32, #tpu.memory_space<hbm>> -> memref<1x64xf32, #tpu.memory_space<hbm>>
      %dma_start3A_121 = arith.constant 0 : i32
      %dma_start3A_122 = tpu.memref_slice %arg6[%add3A_115, %dma_start3A_121] : memref<128x64xf32, #tpu.memory_space<vmem>> -> memref<1x64xf32, #tpu.memory_space<vmem>>
      %dma_start3A_123 = arith.constant 0 : i32
      %dma_start3A_124 = tpu.memref_slice %arg2[%reduce_sum3A_101, %reduce_sum3A_111, %dma_start3A_123] : memref<2x50000x64xf32, #tpu.memory_space<hbm>> -> memref<1x1x64xf32, #tpu.memory_space<hbm>>
      %dma_start3A_125 = tpu.memref_squeeze %dma_start3A_124 : memref<1x1x64xf32, #tpu.memory_space<hbm>> -> memref<1x64xf32, #tpu.memory_space<hbm>>
      tpu.enqueue_dma source(%dma_start3A_125 : memref<1x64xf32, #tpu.memory_space<hbm>>) target(%dma_start3A_122 : memref<1x64xf32, #tpu.memory_space<vmem>>) target_semaphore(%arg7 : memref<!tpu.dma_semaphore, #tpu.memory_space<semaphore_mem>>)
      %eq3A_126 = arith.constant 2 : i32
      %eq3A_127 = vector.broadcast %eq3A_126 : i32 to vector<16xi32>
      %eq3A_128 = arith.cmpi eq, %iota3A, %eq3A_127 : vector<16xi32>
      %jit3A_129 = arith.constant 0 : i32
      %broadcast_in_dim3A_130 = vector.broadcast %jit3A_129 : i32 to vector<16xi32>
      %select_n3A_131 = arith.select %eq3A_128, %select_n3A, %broadcast_in_dim3A_130 : vector<16xi1>, vector<16xi32>
      %reduce_sum3A_132 = arith.constant true
      %reduce_sum3A_133 = vector.broadcast %reduce_sum3A_132 : i1 to vector<16xi1>
      %reduce_sum3A_134 = tpu.scan <sum>, %select_n3A_131 masked %reduce_sum3A_133 : vector<16xi32>, vector<16xi1> -> vector<16xi32>
      %reduce_sum3A_135 = vector.extract %reduce_sum3A_134[15] : i32 from vector<16xi32>
      %eq3A_136 = arith.constant 2 : i32
      %eq3A_137 = vector.broadcast %eq3A_136 : i32 to vector<16xi32>
      %eq3A_138 = arith.cmpi eq, %iota3A, %eq3A_137 : vector<16xi32>
      %jit3A_139 = arith.constant 0 : i32
      %broadcast_in_dim3A_140 = vector.broadcast %jit3A_139 : i32 to vector<16xi32>
      %select_n3A_141 = arith.select %eq3A_138, %select_n3A_60, %broadcast_in_dim3A_140 : vector<16xi1>, vector<16xi32>
      %reduce_sum3A_142 = arith.constant true
      %reduce_sum3A_143 = vector.broadcast %reduce_sum3A_142 : i1 to vector<16xi1>
      %reduce_sum3A_144 = tpu.scan <sum>, %select_n3A_141 masked %reduce_sum3A_143 : vector<16xi32>, vector<16xi1> -> vector<16xi32>
      %reduce_sum3A_145 = vector.extract %reduce_sum3A_144[15] : i32 from vector<16xi32>
      %mul3A_146 = arith.constant 16 : i32
      %mul3A_147 = arith.muli %scan3A_14, %mul3A_146 : i32
      %add3A_148 = arith.constant 2 : i32
      %add3A_149 = arith.addi %mul3A_147, %add3A_148 : i32
      %dma_start3A_150 = arith.constant 0 : i32
      %dma_start3A_151 = tpu.memref_slice %arg6[%add3A_149, %dma_start3A_150] : memref<128x64xf32, #tpu.memory_space<vmem>> -> memref<1x64xf32, #tpu.memory_space<vmem>>
      %dma_start3A_152 = arith.constant 0 : i32
      %dma_start3A_153 = tpu.memref_slice %arg2[%reduce_sum3A_135, %reduce_sum3A_145, %dma_start3A_152] : memref<2x50000x64xf32, #tpu.memory_space<hbm>> -> memref<1x1x64xf32, #tpu.memory_space<hbm>>
      %dma_start3A_154 = tpu.memref_squeeze %dma_start3A_153 : memref<1x1x64xf32, #tpu.memory_space<hbm>> -> memref<1x64xf32, #tpu.memory_space<hbm>>
      %dma_start3A_155 = arith.constant 0 : i32
      %dma_start3A_156 = tpu.memref_slice %arg6[%add3A_149, %dma_start3A_155] : memref<128x64xf32, #tpu.memory_space<vmem>> -> memref<1x64xf32, #tpu.memory_space<vmem>>
      %dma_start3A_157 = arith.constant 0 : i32
      %dma_start3A_158 = tpu.memref_slice %arg2[%reduce_sum3A_135, %reduce_sum3A_145, %dma_start3A_157] : memref<2x50000x64xf32, #tpu.memory_space<hbm>> -> memref<1x1x64xf32, #tpu.memory_space<hbm>>
      %dma_start3A_159 = tpu.memref_squeeze %dma_start3A_158 : memref<1x1x64xf32, #tpu.memory_space<hbm>> -> memref<1x64xf32, #tpu.memory_space<hbm>>
      tpu.enqueue_dma source(%dma_start3A_159 : memref<1x64xf32, #tpu.memory_space<hbm>>) target(%dma_start3A_156 : memref<1x64xf32, #tpu.memory_space<vmem>>) target_semaphore(%arg7 : memref<!tpu.dma_semaphore, #tpu.memory_space<semaphore_mem>>)
      %eq3A_160 = arith.constant 3 : i32
      %eq3A_161 = vector.broadcast %eq3A_160 : i32 to vector<16xi32>
      %eq3A_162 = arith.cmpi eq, %iota3A, %eq3A_161 : vector<16xi32>
      %jit3A_163 = arith.constant 0 : i32
      %broadcast_in_dim3A_164 = vector.broadcast %jit3A_163 : i32 to vector<16xi32>
      %select_n3A_165 = arith.select %eq3A_162, %select_n3A, %broadcast_in_dim3A_164 : vector<16xi1>, vector<16xi32>
      %reduce_sum3A_166 = arith.constant true
      %reduce_sum3A_167 = vector.broadcast %reduce_sum3A_166 : i1 to vector<16xi1>
      %reduce_sum3A_168 = tpu.scan <sum>, %select_n3A_165 masked %reduce_sum3A_167 : vector<16xi32>, vector<16xi1> -> vector<16xi32>
      %reduce_sum3A_169 = vector.extract %reduce_sum3A_168[15] : i32 from vector<16xi32>
      %eq3A_170 = arith.constant 3 : i32
      %eq3A_171 = vector.broadcast %eq3A_170 : i32 to vector<16xi32>
      %eq3A_172 = arith.cmpi eq, %iota3A, %eq3A_171 : vector<16xi32>
      %jit3A_173 = arith.constant 0 : i32
      %broadcast_in_dim3A_174 = vector.broadcast %jit3A_173 : i32 to vector<16xi32>
      %select_n3A_175 = arith.select %eq3A_172, %select_n3A_60, %broadcast_in_dim3A_174 : vector<16xi1>, vector<16xi32>
      %reduce_sum3A_176 = arith.constant true
      %reduce_sum3A_177 = vector.broadcast %reduce_sum3A_176 : i1 to vector<16xi1>
      %reduce_sum3A_178 = tpu.scan <sum>, %select_n3A_175 masked %reduce_sum3A_177 : vector<16xi32>, vector<16xi1> -> vector<16xi32>
      %reduce_sum3A_179 = vector.extract %reduce_sum3A_178[15] : i32 from vector<16xi32>
      %mul3A_180 = arith.constant 16 : i32
      %mul3A_181 = arith.muli %scan3A_14, %mul3A_180 : i32
      %add3A_182 = arith.constant 3 : i32
      %add3A_183 = arith.addi %mul3A_181, %add3A_182 : i32
      %dma_start3A_184 = arith.constant 0 : i32
      %dma_start3A_185 = tpu.memref_slice %arg6[%add3A_183, %dma_start3A_184] : memref<128x64xf32, #tpu.memory_space<vmem>> -> memref<1x64xf32, #tpu.memory_space<vmem>>
      %dma_start3A_186 = arith.constant 0 : i32
      %dma_start3A_187 = tpu.memref_slice %arg2[%reduce_sum3A_169, %reduce_sum3A_179, %dma_start3A_186] : memref<2x50000x64xf32, #tpu.memory_space<hbm>> -> memref<1x1x64xf32, #tpu.memory_space<hbm>>
      %dma_start3A_188 = tpu.memref_squeeze %dma_start3A_187 : memref<1x1x64xf32, #tpu.memory_space<hbm>> -> memref<1x64xf32, #tpu.memory_space<hbm>>
      %dma_start3A_189 = arith.constant 0 : i32
      %dma_start3A_190 = tpu.memref_slice %arg6[%add3A_183, %dma_start3A_189] : memref<128x64xf32, #tpu.memory_space<vmem>> -> memref<1x64xf32, #tpu.memory_space<vmem>>
      %dma_start3A_191 = arith.constant 0 : i32
      %dma_start3A_192 = tpu.memref_slice %arg2[%reduce_sum3A_169, %reduce_sum3A_179, %dma_start3A_191] : memref<2x50000x64xf32, #tpu.memory_space<hbm>> -> memref<1x1x64xf32, #tpu.memory_space<hbm>>
      %dma_start3A_193 = tpu.memref_squeeze %dma_start3A_192 : memref<1x1x64xf32, #tpu.memory_space<hbm>> -> memref<1x64xf32, #tpu.memory_space<hbm>>
      tpu.enqueue_dma source(%dma_start3A_193 : memref<1x64xf32, #tpu.memory_space<hbm>>) target(%dma_start3A_190 : memref<1x64xf32, #tpu.memory_space<vmem>>) target_semaphore(%arg7 : memref<!tpu.dma_semaphore, #tpu.memory_space<semaphore_mem>>)
      %eq3A_194 = arith.constant 4 : i32
      %eq3A_195 = vector.broadcast %eq3A_194 : i32 to vector<16xi32>
      %eq3A_196 = arith.cmpi eq, %iota3A, %eq3A_195 : vector<16xi32>
      %jit3A_197 = arith.constant 0 : i32
      %broadcast_in_dim3A_198 = vector.broadcast %jit3A_197 : i32 to vector<16xi32>
      %select_n3A_199 = arith.select %eq3A_196, %select_n3A, %broadcast_in_dim3A_198 : vector<16xi1>, vector<16xi32>
      %reduce_sum3A_200 = arith.constant true
      %reduce_sum3A_201 = vector.broadcast %reduce_sum3A_200 : i1 to vector<16xi1>
      %reduce_sum3A_202 = tpu.scan <sum>, %select_n3A_199 masked %reduce_sum3A_201 : vector<16xi32>, vector<16xi1> -> vector<16xi32>
      %reduce_sum3A_203 = vector.extract %reduce_sum3A_202[15] : i32 from vector<16xi32>
      %eq3A_204 = arith.constant 4 : i32
      %eq3A_205 = vector.broadcast %eq3A_204 : i32 to vector<16xi32>
      %eq3A_206 = arith.cmpi eq, %iota3A, %eq3A_205 : vector<16xi32>
      %jit3A_207 = arith.constant 0 : i32
      %broadcast_in_dim3A_208 = vector.broadcast %jit3A_207 : i32 to vector<16xi32>
      %select_n3A_209 = arith.select %eq3A_206, %select_n3A_60, %broadcast_in_dim3A_208 : vector<16xi1>, vector<16xi32>
      %reduce_sum3A_210 = arith.constant true
      %reduce_sum3A_211 = vector.broadcast %reduce_sum3A_210 : i1 to vector<16xi1>
      %reduce_sum3A_212 = tpu.scan <sum>, %select_n3A_209 masked %reduce_sum3A_211 : vector<16xi32>, vector<16xi1> -> vector<16xi32>
      %reduce_sum3A_213 = vector.extract %reduce_sum3A_212[15] : i32 from vector<16xi32>
      %mul3A_214 = arith.constant 16 : i32
      %mul3A_215 = arith.muli %scan3A_14, %mul3A_214 : i32
      %add3A_216 = arith.constant 4 : i32
      %add3A_217 = arith.addi %mul3A_215, %add3A_216 : i32
      %dma_start3A_218 = arith.constant 0 : i32
      %dma_start3A_219 = tpu.memref_slice %arg6[%add3A_217, %dma_start3A_218] : memref<128x64xf32, #tpu.memory_space<vmem>> -> memref<1x64xf32, #tpu.memory_space<vmem>>
      %dma_start3A_220 = arith.constant 0 : i32
      %dma_start3A_221 = tpu.memref_slice %arg2[%reduce_sum3A_203, %reduce_sum3A_213, %dma_start3A_220] : memref<2x50000x64xf32, #tpu.memory_space<hbm>> -> memref<1x1x64xf32, #tpu.memory_space<hbm>>
      %dma_start3A_222 = tpu.memref_squeeze %dma_start3A_221 : memref<1x1x64xf32, #tpu.memory_space<hbm>> -> memref<1x64xf32, #tpu.memory_space<hbm>>
      %dma_start3A_223 = arith.constant 0 : i32
      %dma_start3A_224 = tpu.memref_slice %arg6[%add3A_217, %dma_start3A_223] : memref<128x64xf32, #tpu.memory_space<vmem>> -> memref<1x64xf32, #tpu.memory_space<vmem>>
      %dma_start3A_225 = arith.constant 0 : i32
      %dma_start3A_226 = tpu.memref_slice %arg2[%reduce_sum3A_203, %reduce_sum3A_213, %dma_start3A_225] : memref<2x50000x64xf32, #tpu.memory_space<hbm>> -> memref<1x1x64xf32, #tpu.memory_space<hbm>>
      %dma_start3A_227 = tpu.memref_squeeze %dma_start3A_226 : memref<1x1x64xf32, #tpu.memory_space<hbm>> -> memref<1x64xf32, #tpu.memory_space<hbm>>
      tpu.enqueue_dma source(%dma_start3A_227 : memref<1x64xf32, #tpu.memory_space<hbm>>) target(%dma_start3A_224 : memref<1x64xf32, #tpu.memory_space<vmem>>) target_semaphore(%arg7 : memref<!tpu.dma_semaphore, #tpu.memory_space<semaphore_mem>>)
      %eq3A_228 = arith.constant 5 : i32
      %eq3A_229 = vector.broadcast %eq3A_228 : i32 to vector<16xi32>
      %eq3A_230 = arith.cmpi eq, %iota3A, %eq3A_229 : vector<16xi32>
      %jit3A_231 = arith.constant 0 : i32
      %broadcast_in_dim3A_232 = vector.broadcast %jit3A_231 : i32 to vector<16xi32>
      %select_n3A_233 = arith.select %eq3A_230, %select_n3A, %broadcast_in_dim3A_232 : vector<16xi1>, vector<16xi32>
      %reduce_sum3A_234 = arith.constant true
      %reduce_sum3A_235 = vector.broadcast %reduce_sum3A_234 : i1 to vector<16xi1>
      %reduce_sum3A_236 = tpu.scan <sum>, %select_n3A_233 masked %reduce_sum3A_235 : vector<16xi32>, vector<16xi1> -> vector<16xi32>
      %reduce_sum3A_237 = vector.extract %reduce_sum3A_236[15] : i32 from vector<16xi32>
      %eq3A_238 = arith.constant 5 : i32
      %eq3A_239 = vector.broadcast %eq3A_238 : i32 to vector<16xi32>
      %eq3A_240 = arith.cmpi eq, %iota3A, %eq3A_239 : vector<16xi32>
      %jit3A_241 = arith.constant 0 : i32
      %broadcast_in_dim3A_242 = vector.broadcast %jit3A_241 : i32 to vector<16xi32>
      %select_n3A_243 = arith.select %eq3A_240, %select_n3A_60, %broadcast_in_dim3A_242 : vector<16xi1>, vector<16xi32>
      %reduce_sum3A_244 = arith.constant true
      %reduce_sum3A_245 = vector.broadcast %reduce_sum3A_244 : i1 to vector<16xi1>
      %reduce_sum3A_246 = tpu.scan <sum>, %select_n3A_243 masked %reduce_sum3A_245 : vector<16xi32>, vector<16xi1> -> vector<16xi32>
      %reduce_sum3A_247 = vector.extract %reduce_sum3A_246[15] : i32 from vector<16xi32>
      %mul3A_248 = arith.constant 16 : i32
      %mul3A_249 = arith.muli %scan3A_14, %mul3A_248 : i32
      %add3A_250 = arith.constant 5 : i32
      %add3A_251 = arith.addi %mul3A_249, %add3A_250 : i32
      %dma_start3A_252 = arith.constant 0 : i32
      %dma_start3A_253 = tpu.memref_slice %arg6[%add3A_251, %dma_start3A_252] : memref<128x64xf32, #tpu.memory_space<vmem>> -> memref<1x64xf32, #tpu.memory_space<vmem>>
      %dma_start3A_254 = arith.constant 0 : i32
      %dma_start3A_255 = tpu.memref_slice %arg2[%reduce_sum3A_237, %reduce_sum3A_247, %dma_start3A_254] : memref<2x50000x64xf32, #tpu.memory_space<hbm>> -> memref<1x1x64xf32, #tpu.memory_space<hbm>>
      %dma_start3A_256 = tpu.memref_squeeze %dma_start3A_255 : memref<1x1x64xf32, #tpu.memory_space<hbm>> -> memref<1x64xf32, #tpu.memory_space<hbm>>
      %dma_start3A_257 = arith.constant 0 : i32
      %dma_start3A_258 = tpu.memref_slice %arg6[%add3A_251, %dma_start3A_257] : memref<128x64xf32, #tpu.memory_space<vmem>> -> memref<1x64xf32, #tpu.memory_space<vmem>>
      %dma_start3A_259 = arith.constant 0 : i32
      %dma_start3A_260 = tpu.memref_slice %arg2[%reduce_sum3A_237, %reduce_sum3A_247, %dma_start3A_259] : memref<2x50000x64xf32, #tpu.memory_space<hbm>> -> memref<1x1x64xf32, #tpu.memory_space<hbm>>
      %dma_start3A_261 = tpu.memref_squeeze %dma_start3A_260 : memref<1x1x64xf32, #tpu.memory_space<hbm>> -> memref<1x64xf32, #tpu.memory_space<hbm>>
      tpu.enqueue_dma source(%dma_start3A_261 : memref<1x64xf32, #tpu.memory_space<hbm>>) target(%dma_start3A_258 : memref<1x64xf32, #tpu.memory_space<vmem>>) target_semaphore(%arg7 : memref<!tpu.dma_semaphore, #tpu.memory_space<semaphore_mem>>)
      %eq3A_262 = arith.constant 6 : i32
      %eq3A_263 = vector.broadcast %eq3A_262 : i32 to vector<16xi32>
      %eq3A_264 = arith.cmpi eq, %iota3A, %eq3A_263 : vector<16xi32>
      %jit3A_265 = arith.constant 0 : i32
      %broadcast_in_dim3A_266 = vector.broadcast %jit3A_265 : i32 to vector<16xi32>
      %select_n3A_267 = arith.select %eq3A_264, %select_n3A, %broadcast_in_dim3A_266 : vector<16xi1>, vector<16xi32>
      %reduce_sum3A_268 = arith.constant true
      %reduce_sum3A_269 = vector.broadcast %reduce_sum3A_268 : i1 to vector<16xi1>
      %reduce_sum3A_270 = tpu.scan <sum>, %select_n3A_267 masked %reduce_sum3A_269 : vector<16xi32>, vector<16xi1> -> vector<16xi32>
      %reduce_sum3A_271 = vector.extract %reduce_sum3A_270[15] : i32 from vector<16xi32>
      %eq3A_272 = arith.constant 6 : i32
      %eq3A_273 = vector.broadcast %eq3A_272 : i32 to vector<16xi32>
      %eq3A_274 = arith.cmpi eq, %iota3A, %eq3A_273 : vector<16xi32>
      %jit3A_275 = arith.constant 0 : i32
      %broadcast_in_dim3A_276 = vector.broadcast %jit3A_275 : i32 to vector<16xi32>
      %select_n3A_277 = arith.select %eq3A_274, %select_n3A_60, %broadcast_in_dim3A_276 : vector<16xi1>, vector<16xi32>
      %reduce_sum3A_278 = arith.constant true
      %reduce_sum3A_279 = vector.broadcast %reduce_sum3A_278 : i1 to vector<16xi1>
      %reduce_sum3A_280 = tpu.scan <sum>, %select_n3A_277 masked %reduce_sum3A_279 : vector<16xi32>, vector<16xi1> -> vector<16xi32>
      %reduce_sum3A_281 = vector.extract %reduce_sum3A_280[15] : i32 from vector<16xi32>
      %mul3A_282 = arith.constant 16 : i32
      %mul3A_283 = arith.muli %scan3A_14, %mul3A_282 : i32
      %add3A_284 = arith.constant 6 : i32
      %add3A_285 = arith.addi %mul3A_283, %add3A_284 : i32
      %dma_start3A_286 = arith.constant 0 : i32
      %dma_start3A_287 = tpu.memref_slice %arg6[%add3A_285, %dma_start3A_286] : memref<128x64xf32, #tpu.memory_space<vmem>> -> memref<1x64xf32, #tpu.memory_space<vmem>>
      %dma_start3A_288 = arith.constant 0 : i32
      %dma_start3A_289 = tpu.memref_slice %arg2[%reduce_sum3A_271, %reduce_sum3A_281, %dma_start3A_288] : memref<2x50000x64xf32, #tpu.memory_space<hbm>> -> memref<1x1x64xf32, #tpu.memory_space<hbm>>
      %dma_start3A_290 = tpu.memref_squeeze %dma_start3A_289 : memref<1x1x64xf32, #tpu.memory_space<hbm>> -> memref<1x64xf32, #tpu.memory_space<hbm>>
      %dma_start3A_291 = arith.constant 0 : i32
      %dma_start3A_292 = tpu.memref_slice %arg6[%add3A_285, %dma_start3A_291] : memref<128x64xf32, #tpu.memory_space<vmem>> -> memref<1x64xf32, #tpu.memory_space<vmem>>
      %dma_start3A_293 = arith.constant 0 : i32
      %dma_start3A_294 = tpu.memref_slice %arg2[%reduce_sum3A_271, %reduce_sum3A_281, %dma_start3A_293] : memref<2x50000x64xf32, #tpu.memory_space<hbm>> -> memref<1x1x64xf32, #tpu.memory_space<hbm>>
      %dma_start3A_295 = tpu.memref_squeeze %dma_start3A_294 : memref<1x1x64xf32, #tpu.memory_space<hbm>> -> memref<1x64xf32, #tpu.memory_space<hbm>>
      tpu.enqueue_dma source(%dma_start3A_295 : memref<1x64xf32, #tpu.memory_space<hbm>>) target(%dma_start3A_292 : memref<1x64xf32, #tpu.memory_space<vmem>>) target_semaphore(%arg7 : memref<!tpu.dma_semaphore, #tpu.memory_space<semaphore_mem>>)
      %eq3A_296 = arith.constant 7 : i32
      %eq3A_297 = vector.broadcast %eq3A_296 : i32 to vector<16xi32>
      %eq3A_298 = arith.cmpi eq, %iota3A, %eq3A_297 : vector<16xi32>
      %jit3A_299 = arith.constant 0 : i32
      %broadcast_in_dim3A_300 = vector.broadcast %jit3A_299 : i32 to vector<16xi32>
      %select_n3A_301 = arith.select %eq3A_298, %select_n3A, %broadcast_in_dim3A_300 : vector<16xi1>, vector<16xi32>
      %reduce_sum3A_302 = arith.constant true
      %reduce_sum3A_303 = vector.broadcast %reduce_sum3A_302 : i1 to vector<16xi1>
      %reduce_sum3A_304 = tpu.scan <sum>, %select_n3A_301 masked %reduce_sum3A_303 : vector<16xi32>, vector<16xi1> -> vector<16xi32>
      %reduce_sum3A_305 = vector.extract %reduce_sum3A_304[15] : i32 from vector<16xi32>
      %eq3A_306 = arith.constant 7 : i32
      %eq3A_307 = vector.broadcast %eq3A_306 : i32 to vector<16xi32>
      %eq3A_308 = arith.cmpi eq, %iota3A, %eq3A_307 : vector<16xi32>
      %jit3A_309 = arith.constant 0 : i32
      %broadcast_in_dim3A_310 = vector.broadcast %jit3A_309 : i32 to vector<16xi32>
      %select_n3A_311 = arith.select %eq3A_308, %select_n3A_60, %broadcast_in_dim3A_310 : vector<16xi1>, vector<16xi32>
      %reduce_sum3A_312 = arith.constant true
      %reduce_sum3A_313 = vector.broadcast %reduce_sum3A_312 : i1 to vector<16xi1>
      %reduce_sum3A_314 = tpu.scan <sum>, %select_n3A_311 masked %reduce_sum3A_313 : vector<16xi32>, vector<16xi1> -> vector<16xi32>
      %reduce_sum3A_315 = vector.extract %reduce_sum3A_314[15] : i32 from vector<16xi32>
      %mul3A_316 = arith.constant 16 : i32
      %mul3A_317 = arith.muli %scan3A_14, %mul3A_316 : i32
      %add3A_318 = arith.constant 7 : i32
      %add3A_319 = arith.addi %mul3A_317, %add3A_318 : i32
      %dma_start3A_320 = arith.constant 0 : i32
      %dma_start3A_321 = tpu.memref_slice %arg6[%add3A_319, %dma_start3A_320] : memref<128x64xf32, #tpu.memory_space<vmem>> -> memref<1x64xf32, #tpu.memory_space<vmem>>
      %dma_start3A_322 = arith.constant 0 : i32
      %dma_start3A_323 = tpu.memref_slice %arg2[%reduce_sum3A_305, %reduce_sum3A_315, %dma_start3A_322] : memref<2x50000x64xf32, #tpu.memory_space<hbm>> -> memref<1x1x64xf32, #tpu.memory_space<hbm>>
      %dma_start3A_324 = tpu.memref_squeeze %dma_start3A_323 : memref<1x1x64xf32, #tpu.memory_space<hbm>> -> memref<1x64xf32, #tpu.memory_space<hbm>>
      %dma_start3A_325 = arith.constant 0 : i32
      %dma_start3A_326 = tpu.memref_slice %arg6[%add3A_319, %dma_start3A_325] : memref<128x64xf32, #tpu.memory_space<vmem>> -> memref<1x64xf32, #tpu.memory_space<vmem>>
      %dma_start3A_327 = arith.constant 0 : i32
      %dma_start3A_328 = tpu.memref_slice %arg2[%reduce_sum3A_305, %reduce_sum3A_315, %dma_start3A_327] : memref<2x50000x64xf32, #tpu.memory_space<hbm>> -> memref<1x1x64xf32, #tpu.memory_space<hbm>>
      %dma_start3A_329 = tpu.memref_squeeze %dma_start3A_328 : memref<1x1x64xf32, #tpu.memory_space<hbm>> -> memref<1x64xf32, #tpu.memory_space<hbm>>
      tpu.enqueue_dma source(%dma_start3A_329 : memref<1x64xf32, #tpu.memory_space<hbm>>) target(%dma_start3A_326 : memref<1x64xf32, #tpu.memory_space<vmem>>) target_semaphore(%arg7 : memref<!tpu.dma_semaphore, #tpu.memory_space<semaphore_mem>>)
      %eq3A_330 = arith.constant 8 : i32
      %eq3A_331 = vector.broadcast %eq3A_330 : i32 to vector<16xi32>
      %eq3A_332 = arith.cmpi eq, %iota3A, %eq3A_331 : vector<16xi32>
      %jit3A_333 = arith.constant 0 : i32
      %broadcast_in_dim3A_334 = vector.broadcast %jit3A_333 : i32 to vector<16xi32>
      %select_n3A_335 = arith.select %eq3A_332, %select_n3A, %broadcast_in_dim3A_334 : vector<16xi1>, vector<16xi32>
      %reduce_sum3A_336 = arith.constant true
      %reduce_sum3A_337 = vector.broadcast %reduce_sum3A_336 : i1 to vector<16xi1>
      %reduce_sum3A_338 = tpu.scan <sum>, %select_n3A_335 masked %reduce_sum3A_337 : vector<16xi32>, vector<16xi1> -> vector<16xi32>
      %reduce_sum3A_339 = vector.extract %reduce_sum3A_338[15] : i32 from vector<16xi32>
      %eq3A_340 = arith.constant 8 : i32
      %eq3A_341 = vector.broadcast %eq3A_340 : i32 to vector<16xi32>
      %eq3A_342 = arith.cmpi eq, %iota3A, %eq3A_341 : vector<16xi32>
      %jit3A_343 = arith.constant 0 : i32
      %broadcast_in_dim3A_344 = vector.broadcast %jit3A_343 : i32 to vector<16xi32>
      %select_n3A_345 = arith.select %eq3A_342, %select_n3A_60, %broadcast_in_dim3A_344 : vector<16xi1>, vector<16xi32>
      %reduce_sum3A_346 = arith.constant true
      %reduce_sum3A_347 = vector.broadcast %reduce_sum3A_346 : i1 to vector<16xi1>
      %reduce_sum3A_348 = tpu.scan <sum>, %select_n3A_345 masked %reduce_sum3A_347 : vector<16xi32>, vector<16xi1> -> vector<16xi32>
      %reduce_sum3A_349 = vector.extract %reduce_sum3A_348[15] : i32 from vector<16xi32>
      %mul3A_350 = arith.constant 16 : i32
      %mul3A_351 = arith.muli %scan3A_14, %mul3A_350 : i32
      %add3A_352 = arith.constant 8 : i32
      %add3A_353 = arith.addi %mul3A_351, %add3A_352 : i32
      %dma_start3A_354 = arith.constant 0 : i32
      %dma_start3A_355 = tpu.memref_slice %arg6[%add3A_353, %dma_start3A_354] : memref<128x64xf32, #tpu.memory_space<vmem>> -> memref<1x64xf32, #tpu.memory_space<vmem>>
      %dma_start3A_356 = arith.constant 0 : i32
      %dma_start3A_357 = tpu.memref_slice %arg2[%reduce_sum3A_339, %reduce_sum3A_349, %dma_start3A_356] : memref<2x50000x64xf32, #tpu.memory_space<hbm>> -> memref<1x1x64xf32, #tpu.memory_space<hbm>>
      %dma_start3A_358 = tpu.memref_squeeze %dma_start3A_357 : memref<1x1x64xf32, #tpu.memory_space<hbm>> -> memref<1x64xf32, #tpu.memory_space<hbm>>
      %dma_start3A_359 = arith.constant 0 : i32
      %dma_start3A_360 = tpu.memref_slice %arg6[%add3A_353, %dma_start3A_359] : memref<128x64xf32, #tpu.memory_space<vmem>> -> memref<1x64xf32, #tpu.memory_space<vmem>>
      %dma_start3A_361 = arith.constant 0 : i32
      %dma_start3A_362 = tpu.memref_slice %arg2[%reduce_sum3A_339, %reduce_sum3A_349, %dma_start3A_361] : memref<2x50000x64xf32, #tpu.memory_space<hbm>> -> memref<1x1x64xf32, #tpu.memory_space<hbm>>
      %dma_start3A_363 = tpu.memref_squeeze %dma_start3A_362 : memref<1x1x64xf32, #tpu.memory_space<hbm>> -> memref<1x64xf32, #tpu.memory_space<hbm>>
      tpu.enqueue_dma source(%dma_start3A_363 : memref<1x64xf32, #tpu.memory_space<hbm>>) target(%dma_start3A_360 : memref<1x64xf32, #tpu.memory_space<vmem>>) target_semaphore(%arg7 : memref<!tpu.dma_semaphore, #tpu.memory_space<semaphore_mem>>)
      %eq3A_364 = arith.constant 9 : i32
      %eq3A_365 = vector.broadcast %eq3A_364 : i32 to vector<16xi32>
      %eq3A_366 = arith.cmpi eq, %iota3A, %eq3A_365 : vector<16xi32>
      %jit3A_367 = arith.constant 0 : i32
      %broadcast_in_dim3A_368 = vector.broadcast %jit3A_367 : i32 to vector<16xi32>
      %select_n3A_369 = arith.select %eq3A_366, %select_n3A, %broadcast_in_dim3A_368 : vector<16xi1>, vector<16xi32>
      %reduce_sum3A_370 = arith.constant true
      %reduce_sum3A_371 = vector.broadcast %reduce_sum3A_370 : i1 to vector<16xi1>
      %reduce_sum3A_372 = tpu.scan <sum>, %select_n3A_369 masked %reduce_sum3A_371 : vector<16xi32>, vector<16xi1> -> vector<16xi32>
      %reduce_sum3A_373 = vector.extract %reduce_sum3A_372[15] : i32 from vector<16xi32>
      %eq3A_374 = arith.constant 9 : i32
      %eq3A_375 = vector.broadcast %eq3A_374 : i32 to vector<16xi32>
      %eq3A_376 = arith.cmpi eq, %iota3A, %eq3A_375 : vector<16xi32>
      %jit3A_377 = arith.constant 0 : i32
      %broadcast_in_dim3A_378 = vector.broadcast %jit3A_377 : i32 to vector<16xi32>
      %select_n3A_379 = arith.select %eq3A_376, %select_n3A_60, %broadcast_in_dim3A_378 : vector<16xi1>, vector<16xi32>
      %reduce_sum3A_380 = arith.constant true
      %reduce_sum3A_381 = vector.broadcast %reduce_sum3A_380 : i1 to vector<16xi1>
      %reduce_sum3A_382 = tpu.scan <sum>, %select_n3A_379 masked %reduce_sum3A_381 : vector<16xi32>, vector<16xi1> -> vector<16xi32>
      %reduce_sum3A_383 = vector.extract %reduce_sum3A_382[15] : i32 from vector<16xi32>
      %mul3A_384 = arith.constant 16 : i32
      %mul3A_385 = arith.muli %scan3A_14, %mul3A_384 : i32
      %add3A_386 = arith.constant 9 : i32
      %add3A_387 = arith.addi %mul3A_385, %add3A_386 : i32
      %dma_start3A_388 = arith.constant 0 : i32
      %dma_start3A_389 = tpu.memref_slice %arg6[%add3A_387, %dma_start3A_388] : memref<128x64xf32, #tpu.memory_space<vmem>> -> memref<1x64xf32, #tpu.memory_space<vmem>>
      %dma_start3A_390 = arith.constant 0 : i32
      %dma_start3A_391 = tpu.memref_slice %arg2[%reduce_sum3A_373, %reduce_sum3A_383, %dma_start3A_390] : memref<2x50000x64xf32, #tpu.memory_space<hbm>> -> memref<1x1x64xf32, #tpu.memory_space<hbm>>
      %dma_start3A_392 = tpu.memref_squeeze %dma_start3A_391 : memref<1x1x64xf32, #tpu.memory_space<hbm>> -> memref<1x64xf32, #tpu.memory_space<hbm>>
      %dma_start3A_393 = arith.constant 0 : i32
      %dma_start3A_394 = tpu.memref_slice %arg6[%add3A_387, %dma_start3A_393] : memref<128x64xf32, #tpu.memory_space<vmem>> -> memref<1x64xf32, #tpu.memory_space<vmem>>
      %dma_start3A_395 = arith.constant 0 : i32
      %dma_start3A_396 = tpu.memref_slice %arg2[%reduce_sum3A_373, %reduce_sum3A_383, %dma_start3A_395] : memref<2x50000x64xf32, #tpu.memory_space<hbm>> -> memref<1x1x64xf32, #tpu.memory_space<hbm>>
      %dma_start3A_397 = tpu.memref_squeeze %dma_start3A_396 : memref<1x1x64xf32, #tpu.memory_space<hbm>> -> memref<1x64xf32, #tpu.memory_space<hbm>>
      tpu.enqueue_dma source(%dma_start3A_397 : memref<1x64xf32, #tpu.memory_space<hbm>>) target(%dma_start3A_394 : memref<1x64xf32, #tpu.memory_space<vmem>>) target_semaphore(%arg7 : memref<!tpu.dma_semaphore, #tpu.memory_space<semaphore_mem>>)
      %eq3A_398 = arith.constant 10 : i32
      %eq3A_399 = vector.broadcast %eq3A_398 : i32 to vector<16xi32>
      %eq3A_400 = arith.cmpi eq, %iota3A, %eq3A_399 : vector<16xi32>
      %jit3A_401 = arith.constant 0 : i32
      %broadcast_in_dim3A_402 = vector.broadcast %jit3A_401 : i32 to vector<16xi32>
      %select_n3A_403 = arith.select %eq3A_400, %select_n3A, %broadcast_in_dim3A_402 : vector<16xi1>, vector<16xi32>
      %reduce_sum3A_404 = arith.constant true
      %reduce_sum3A_405 = vector.broadcast %reduce_sum3A_404 : i1 to vector<16xi1>
      %reduce_sum3A_406 = tpu.scan <sum>, %select_n3A_403 masked %reduce_sum3A_405 : vector<16xi32>, vector<16xi1> -> vector<16xi32>
      %reduce_sum3A_407 = vector.extract %reduce_sum3A_406[15] : i32 from vector<16xi32>
      %eq3A_408 = arith.constant 10 : i32
      %eq3A_409 = vector.broadcast %eq3A_408 : i32 to vector<16xi32>
      %eq3A_410 = arith.cmpi eq, %iota3A, %eq3A_409 : vector<16xi32>
      %jit3A_411 = arith.constant 0 : i32
      %broadcast_in_dim3A_412 = vector.broadcast %jit3A_411 : i32 to vector<16xi32>
      %select_n3A_413 = arith.select %eq3A_410, %select_n3A_60, %broadcast_in_dim3A_412 : vector<16xi1>, vector<16xi32>
      %reduce_sum3A_414 = arith.constant true
      %reduce_sum3A_415 = vector.broadcast %reduce_sum3A_414 : i1 to vector<16xi1>
      %reduce_sum3A_416 = tpu.scan <sum>, %select_n3A_413 masked %reduce_sum3A_415 : vector<16xi32>, vector<16xi1> -> vector<16xi32>
      %reduce_sum3A_417 = vector.extract %reduce_sum3A_416[15] : i32 from vector<16xi32>
      %mul3A_418 = arith.constant 16 : i32
      %mul3A_419 = arith.muli %scan3A_14, %mul3A_418 : i32
      %add3A_420 = arith.constant 10 : i32
      %add3A_421 = arith.addi %mul3A_419, %add3A_420 : i32
      %dma_start3A_422 = arith.constant 0 : i32
      %dma_start3A_423 = tpu.memref_slice %arg6[%add3A_421, %dma_start3A_422] : memref<128x64xf32, #tpu.memory_space<vmem>> -> memref<1x64xf32, #tpu.memory_space<vmem>>
      %dma_start3A_424 = arith.constant 0 : i32
      %dma_start3A_425 = tpu.memref_slice %arg2[%reduce_sum3A_407, %reduce_sum3A_417, %dma_start3A_424] : memref<2x50000x64xf32, #tpu.memory_space<hbm>> -> memref<1x1x64xf32, #tpu.memory_space<hbm>>
      %dma_start3A_426 = tpu.memref_squeeze %dma_start3A_425 : memref<1x1x64xf32, #tpu.memory_space<hbm>> -> memref<1x64xf32, #tpu.memory_space<hbm>>
      %dma_start3A_427 = arith.constant 0 : i32
      %dma_start3A_428 = tpu.memref_slice %arg6[%add3A_421, %dma_start3A_427] : memref<128x64xf32, #tpu.memory_space<vmem>> -> memref<1x64xf32, #tpu.memory_space<vmem>>
      %dma_start3A_429 = arith.constant 0 : i32
      %dma_start3A_430 = tpu.memref_slice %arg2[%reduce_sum3A_407, %reduce_sum3A_417, %dma_start3A_429] : memref<2x50000x64xf32, #tpu.memory_space<hbm>> -> memref<1x1x64xf32, #tpu.memory_space<hbm>>
      %dma_start3A_431 = tpu.memref_squeeze %dma_start3A_430 : memref<1x1x64xf32, #tpu.memory_space<hbm>> -> memref<1x64xf32, #tpu.memory_space<hbm>>
      tpu.enqueue_dma source(%dma_start3A_431 : memref<1x64xf32, #tpu.memory_space<hbm>>) target(%dma_start3A_428 : memref<1x64xf32, #tpu.memory_space<vmem>>) target_semaphore(%arg7 : memref<!tpu.dma_semaphore, #tpu.memory_space<semaphore_mem>>)
      %eq3A_432 = arith.constant 11 : i32
      %eq3A_433 = vector.broadcast %eq3A_432 : i32 to vector<16xi32>
      %eq3A_434 = arith.cmpi eq, %iota3A, %eq3A_433 : vector<16xi32>
      %jit3A_435 = arith.constant 0 : i32
      %broadcast_in_dim3A_436 = vector.broadcast %jit3A_435 : i32 to vector<16xi32>
      %select_n3A_437 = arith.select %eq3A_434, %select_n3A, %broadcast_in_dim3A_436 : vector<16xi1>, vector<16xi32>
      %reduce_sum3A_438 = arith.constant true
      %reduce_sum3A_439 = vector.broadcast %reduce_sum3A_438 : i1 to vector<16xi1>
      %reduce_sum3A_440 = tpu.scan <sum>, %select_n3A_437 masked %reduce_sum3A_439 : vector<16xi32>, vector<16xi1> -> vector<16xi32>
      %reduce_sum3A_441 = vector.extract %reduce_sum3A_440[15] : i32 from vector<16xi32>
      %eq3A_442 = arith.constant 11 : i32
      %eq3A_443 = vector.broadcast %eq3A_442 : i32 to vector<16xi32>
      %eq3A_444 = arith.cmpi eq, %iota3A, %eq3A_443 : vector<16xi32>
      %jit3A_445 = arith.constant 0 : i32
      %broadcast_in_dim3A_446 = vector.broadcast %jit3A_445 : i32 to vector<16xi32>
      %select_n3A_447 = arith.select %eq3A_444, %select_n3A_60, %broadcast_in_dim3A_446 : vector<16xi1>, vector<16xi32>
      %reduce_sum3A_448 = arith.constant true
      %reduce_sum3A_449 = vector.broadcast %reduce_sum3A_448 : i1 to vector<16xi1>
      %reduce_sum3A_450 = tpu.scan <sum>, %select_n3A_447 masked %reduce_sum3A_449 : vector<16xi32>, vector<16xi1> -> vector<16xi32>
      %reduce_sum3A_451 = vector.extract %reduce_sum3A_450[15] : i32 from vector<16xi32>
      %mul3A_452 = arith.constant 16 : i32
      %mul3A_453 = arith.muli %scan3A_14, %mul3A_452 : i32
      %add3A_454 = arith.constant 11 : i32
      %add3A_455 = arith.addi %mul3A_453, %add3A_454 : i32
      %dma_start3A_456 = arith.constant 0 : i32
      %dma_start3A_457 = tpu.memref_slice %arg6[%add3A_455, %dma_start3A_456] : memref<128x64xf32, #tpu.memory_space<vmem>> -> memref<1x64xf32, #tpu.memory_space<vmem>>
      %dma_start3A_458 = arith.constant 0 : i32
      %dma_start3A_459 = tpu.memref_slice %arg2[%reduce_sum3A_441, %reduce_sum3A_451, %dma_start3A_458] : memref<2x50000x64xf32, #tpu.memory_space<hbm>> -> memref<1x1x64xf32, #tpu.memory_space<hbm>>
      %dma_start3A_460 = tpu.memref_squeeze %dma_start3A_459 : memref<1x1x64xf32, #tpu.memory_space<hbm>> -> memref<1x64xf32, #tpu.memory_space<hbm>>
      %dma_start3A_461 = arith.constant 0 : i32
      %dma_start3A_462 = tpu.memref_slice %arg6[%add3A_455, %dma_start3A_461] : memref<128x64xf32, #tpu.memory_space<vmem>> -> memref<1x64xf32, #tpu.memory_space<vmem>>
      %dma_start3A_463 = arith.constant 0 : i32
      %dma_start3A_464 = tpu.memref_slice %arg2[%reduce_sum3A_441, %reduce_sum3A_451, %dma_start3A_463] : memref<2x50000x64xf32, #tpu.memory_space<hbm>> -> memref<1x1x64xf32, #tpu.memory_space<hbm>>
      %dma_start3A_465 = tpu.memref_squeeze %dma_start3A_464 : memref<1x1x64xf32, #tpu.memory_space<hbm>> -> memref<1x64xf32, #tpu.memory_space<hbm>>
      tpu.enqueue_dma source(%dma_start3A_465 : memref<1x64xf32, #tpu.memory_space<hbm>>) target(%dma_start3A_462 : memref<1x64xf32, #tpu.memory_space<vmem>>) target_semaphore(%arg7 : memref<!tpu.dma_semaphore, #tpu.memory_space<semaphore_mem>>)
      %eq3A_466 = arith.constant 12 : i32
      %eq3A_467 = vector.broadcast %eq3A_466 : i32 to vector<16xi32>
      %eq3A_468 = arith.cmpi eq, %iota3A, %eq3A_467 : vector<16xi32>
      %jit3A_469 = arith.constant 0 : i32
      %broadcast_in_dim3A_470 = vector.broadcast %jit3A_469 : i32 to vector<16xi32>
      %select_n3A_471 = arith.select %eq3A_468, %select_n3A, %broadcast_in_dim3A_470 : vector<16xi1>, vector<16xi32>
      %reduce_sum3A_472 = arith.constant true
      %reduce_sum3A_473 = vector.broadcast %reduce_sum3A_472 : i1 to vector<16xi1>
      %reduce_sum3A_474 = tpu.scan <sum>, %select_n3A_471 masked %reduce_sum3A_473 : vector<16xi32>, vector<16xi1> -> vector<16xi32>
      %reduce_sum3A_475 = vector.extract %reduce_sum3A_474[15] : i32 from vector<16xi32>
      %eq3A_476 = arith.constant 12 : i32
      %eq3A_477 = vector.broadcast %eq3A_476 : i32 to vector<16xi32>
      %eq3A_478 = arith.cmpi eq, %iota3A, %eq3A_477 : vector<16xi32>
      %jit3A_479 = arith.constant 0 : i32
      %broadcast_in_dim3A_480 = vector.broadcast %jit3A_479 : i32 to vector<16xi32>
      %select_n3A_481 = arith.select %eq3A_478, %select_n3A_60, %broadcast_in_dim3A_480 : vector<16xi1>, vector<16xi32>
      %reduce_sum3A_482 = arith.constant true
      %reduce_sum3A_483 = vector.broadcast %reduce_sum3A_482 : i1 to vector<16xi1>
      %reduce_sum3A_484 = tpu.scan <sum>, %select_n3A_481 masked %reduce_sum3A_483 : vector<16xi32>, vector<16xi1> -> vector<16xi32>
      %reduce_sum3A_485 = vector.extract %reduce_sum3A_484[15] : i32 from vector<16xi32>
      %mul3A_486 = arith.constant 16 : i32
      %mul3A_487 = arith.muli %scan3A_14, %mul3A_486 : i32
      %add3A_488 = arith.constant 12 : i32
      %add3A_489 = arith.addi %mul3A_487, %add3A_488 : i32
      %dma_start3A_490 = arith.constant 0 : i32
      %dma_start3A_491 = tpu.memref_slice %arg6[%add3A_489, %dma_start3A_490] : memref<128x64xf32, #tpu.memory_space<vmem>> -> memref<1x64xf32, #tpu.memory_space<vmem>>
      %dma_start3A_492 = arith.constant 0 : i32
      %dma_start3A_493 = tpu.memref_slice %arg2[%reduce_sum3A_475, %reduce_sum3A_485, %dma_start3A_492] : memref<2x50000x64xf32, #tpu.memory_space<hbm>> -> memref<1x1x64xf32, #tpu.memory_space<hbm>>
      %dma_start3A_494 = tpu.memref_squeeze %dma_start3A_493 : memref<1x1x64xf32, #tpu.memory_space<hbm>> -> memref<1x64xf32, #tpu.memory_space<hbm>>
      %dma_start3A_495 = arith.constant 0 : i32
      %dma_start3A_496 = tpu.memref_slice %arg6[%add3A_489, %dma_start3A_495] : memref<128x64xf32, #tpu.memory_space<vmem>> -> memref<1x64xf32, #tpu.memory_space<vmem>>
      %dma_start3A_497 = arith.constant 0 : i32
      %dma_start3A_498 = tpu.memref_slice %arg2[%reduce_sum3A_475, %reduce_sum3A_485, %dma_start3A_497] : memref<2x50000x64xf32, #tpu.memory_space<hbm>> -> memref<1x1x64xf32, #tpu.memory_space<hbm>>
      %dma_start3A_499 = tpu.memref_squeeze %dma_start3A_498 : memref<1x1x64xf32, #tpu.memory_space<hbm>> -> memref<1x64xf32, #tpu.memory_space<hbm>>
      tpu.enqueue_dma source(%dma_start3A_499 : memref<1x64xf32, #tpu.memory_space<hbm>>) target(%dma_start3A_496 : memref<1x64xf32, #tpu.memory_space<vmem>>) target_semaphore(%arg7 : memref<!tpu.dma_semaphore, #tpu.memory_space<semaphore_mem>>)
      %eq3A_500 = arith.constant 13 : i32
      %eq3A_501 = vector.broadcast %eq3A_500 : i32 to vector<16xi32>
      %eq3A_502 = arith.cmpi eq, %iota3A, %eq3A_501 : vector<16xi32>
      %jit3A_503 = arith.constant 0 : i32
      %broadcast_in_dim3A_504 = vector.broadcast %jit3A_503 : i32 to vector<16xi32>
      %select_n3A_505 = arith.select %eq3A_502, %select_n3A, %broadcast_in_dim3A_504 : vector<16xi1>, vector<16xi32>
      %reduce_sum3A_506 = arith.constant true
      %reduce_sum3A_507 = vector.broadcast %reduce_sum3A_506 : i1 to vector<16xi1>
      %reduce_sum3A_508 = tpu.scan <sum>, %select_n3A_505 masked %reduce_sum3A_507 : vector<16xi32>, vector<16xi1> -> vector<16xi32>
      %reduce_sum3A_509 = vector.extract %reduce_sum3A_508[15] : i32 from vector<16xi32>
      %eq3A_510 = arith.constant 13 : i32
      %eq3A_511 = vector.broadcast %eq3A_510 : i32 to vector<16xi32>
      %eq3A_512 = arith.cmpi eq, %iota3A, %eq3A_511 : vector<16xi32>
      %jit3A_513 = arith.constant 0 : i32
      %broadcast_in_dim3A_514 = vector.broadcast %jit3A_513 : i32 to vector<16xi32>
      %select_n3A_515 = arith.select %eq3A_512, %select_n3A_60, %broadcast_in_dim3A_514 : vector<16xi1>, vector<16xi32>
      %reduce_sum3A_516 = arith.constant true
      %reduce_sum3A_517 = vector.broadcast %reduce_sum3A_516 : i1 to vector<16xi1>
      %reduce_sum3A_518 = tpu.scan <sum>, %select_n3A_515 masked %reduce_sum3A_517 : vector<16xi32>, vector<16xi1> -> vector<16xi32>
      %reduce_sum3A_519 = vector.extract %reduce_sum3A_518[15] : i32 from vector<16xi32>
      %mul3A_520 = arith.constant 16 : i32
      %mul3A_521 = arith.muli %scan3A_14, %mul3A_520 : i32
      %add3A_522 = arith.constant 13 : i32
      %add3A_523 = arith.addi %mul3A_521, %add3A_522 : i32
      %dma_start3A_524 = arith.constant 0 : i32
      %dma_start3A_525 = tpu.memref_slice %arg6[%add3A_523, %dma_start3A_524] : memref<128x64xf32, #tpu.memory_space<vmem>> -> memref<1x64xf32, #tpu.memory_space<vmem>>
      %dma_start3A_526 = arith.constant 0 : i32
      %dma_start3A_527 = tpu.memref_slice %arg2[%reduce_sum3A_509, %reduce_sum3A_519, %dma_start3A_526] : memref<2x50000x64xf32, #tpu.memory_space<hbm>> -> memref<1x1x64xf32, #tpu.memory_space<hbm>>
      %dma_start3A_528 = tpu.memref_squeeze %dma_start3A_527 : memref<1x1x64xf32, #tpu.memory_space<hbm>> -> memref<1x64xf32, #tpu.memory_space<hbm>>
      %dma_start3A_529 = arith.constant 0 : i32
      %dma_start3A_530 = tpu.memref_slice %arg6[%add3A_523, %dma_start3A_529] : memref<128x64xf32, #tpu.memory_space<vmem>> -> memref<1x64xf32, #tpu.memory_space<vmem>>
      %dma_start3A_531 = arith.constant 0 : i32
      %dma_start3A_532 = tpu.memref_slice %arg2[%reduce_sum3A_509, %reduce_sum3A_519, %dma_start3A_531] : memref<2x50000x64xf32, #tpu.memory_space<hbm>> -> memref<1x1x64xf32, #tpu.memory_space<hbm>>
      %dma_start3A_533 = tpu.memref_squeeze %dma_start3A_532 : memref<1x1x64xf32, #tpu.memory_space<hbm>> -> memref<1x64xf32, #tpu.memory_space<hbm>>
      tpu.enqueue_dma source(%dma_start3A_533 : memref<1x64xf32, #tpu.memory_space<hbm>>) target(%dma_start3A_530 : memref<1x64xf32, #tpu.memory_space<vmem>>) target_semaphore(%arg7 : memref<!tpu.dma_semaphore, #tpu.memory_space<semaphore_mem>>)
      %eq3A_534 = arith.constant 14 : i32
      %eq3A_535 = vector.broadcast %eq3A_534 : i32 to vector<16xi32>
      %eq3A_536 = arith.cmpi eq, %iota3A, %eq3A_535 : vector<16xi32>
      %jit3A_537 = arith.constant 0 : i32
      %broadcast_in_dim3A_538 = vector.broadcast %jit3A_537 : i32 to vector<16xi32>
      %select_n3A_539 = arith.select %eq3A_536, %select_n3A, %broadcast_in_dim3A_538 : vector<16xi1>, vector<16xi32>
      %reduce_sum3A_540 = arith.constant true
      %reduce_sum3A_541 = vector.broadcast %reduce_sum3A_540 : i1 to vector<16xi1>
      %reduce_sum3A_542 = tpu.scan <sum>, %select_n3A_539 masked %reduce_sum3A_541 : vector<16xi32>, vector<16xi1> -> vector<16xi32>
      %reduce_sum3A_543 = vector.extract %reduce_sum3A_542[15] : i32 from vector<16xi32>
      %eq3A_544 = arith.constant 14 : i32
      %eq3A_545 = vector.broadcast %eq3A_544 : i32 to vector<16xi32>
      %eq3A_546 = arith.cmpi eq, %iota3A, %eq3A_545 : vector<16xi32>
      %jit3A_547 = arith.constant 0 : i32
      %broadcast_in_dim3A_548 = vector.broadcast %jit3A_547 : i32 to vector<16xi32>
      %select_n3A_549 = arith.select %eq3A_546, %select_n3A_60, %broadcast_in_dim3A_548 : vector<16xi1>, vector<16xi32>
      %reduce_sum3A_550 = arith.constant true
      %reduce_sum3A_551 = vector.broadcast %reduce_sum3A_550 : i1 to vector<16xi1>
      %reduce_sum3A_552 = tpu.scan <sum>, %select_n3A_549 masked %reduce_sum3A_551 : vector<16xi32>, vector<16xi1> -> vector<16xi32>
      %reduce_sum3A_553 = vector.extract %reduce_sum3A_552[15] : i32 from vector<16xi32>
      %mul3A_554 = arith.constant 16 : i32
      %mul3A_555 = arith.muli %scan3A_14, %mul3A_554 : i32
      %add3A_556 = arith.constant 14 : i32
      %add3A_557 = arith.addi %mul3A_555, %add3A_556 : i32
      %dma_start3A_558 = arith.constant 0 : i32
      %dma_start3A_559 = tpu.memref_slice %arg6[%add3A_557, %dma_start3A_558] : memref<128x64xf32, #tpu.memory_space<vmem>> -> memref<1x64xf32, #tpu.memory_space<vmem>>
      %dma_start3A_560 = arith.constant 0 : i32
      %dma_start3A_561 = tpu.memref_slice %arg2[%reduce_sum3A_543, %reduce_sum3A_553, %dma_start3A_560] : memref<2x50000x64xf32, #tpu.memory_space<hbm>> -> memref<1x1x64xf32, #tpu.memory_space<hbm>>
      %dma_start3A_562 = tpu.memref_squeeze %dma_start3A_561 : memref<1x1x64xf32, #tpu.memory_space<hbm>> -> memref<1x64xf32, #tpu.memory_space<hbm>>
      %dma_start3A_563 = arith.constant 0 : i32
      %dma_start3A_564 = tpu.memref_slice %arg6[%add3A_557, %dma_start3A_563] : memref<128x64xf32, #tpu.memory_space<vmem>> -> memref<1x64xf32, #tpu.memory_space<vmem>>
      %dma_start3A_565 = arith.constant 0 : i32
      %dma_start3A_566 = tpu.memref_slice %arg2[%reduce_sum3A_543, %reduce_sum3A_553, %dma_start3A_565] : memref<2x50000x64xf32, #tpu.memory_space<hbm>> -> memref<1x1x64xf32, #tpu.memory_space<hbm>>
      %dma_start3A_567 = tpu.memref_squeeze %dma_start3A_566 : memref<1x1x64xf32, #tpu.memory_space<hbm>> -> memref<1x64xf32, #tpu.memory_space<hbm>>
      tpu.enqueue_dma source(%dma_start3A_567 : memref<1x64xf32, #tpu.memory_space<hbm>>) target(%dma_start3A_564 : memref<1x64xf32, #tpu.memory_space<vmem>>) target_semaphore(%arg7 : memref<!tpu.dma_semaphore, #tpu.memory_space<semaphore_mem>>)
      %eq3A_568 = arith.constant 15 : i32
      %eq3A_569 = vector.broadcast %eq3A_568 : i32 to vector<16xi32>
      %eq3A_570 = arith.cmpi eq, %iota3A, %eq3A_569 : vector<16xi32>
      %jit3A_571 = arith.constant 0 : i32
      %broadcast_in_dim3A_572 = vector.broadcast %jit3A_571 : i32 to vector<16xi32>
      %select_n3A_573 = arith.select %eq3A_570, %select_n3A, %broadcast_in_dim3A_572 : vector<16xi1>, vector<16xi32>
      %reduce_sum3A_574 = arith.constant true
      %reduce_sum3A_575 = vector.broadcast %reduce_sum3A_574 : i1 to vector<16xi1>
      %reduce_sum3A_576 = tpu.scan <sum>, %select_n3A_573 masked %reduce_sum3A_575 : vector<16xi32>, vector<16xi1> -> vector<16xi32>
      %reduce_sum3A_577 = vector.extract %reduce_sum3A_576[15] : i32 from vector<16xi32>
      %eq3A_578 = arith.constant 15 : i32
      %eq3A_579 = vector.broadcast %eq3A_578 : i32 to vector<16xi32>
      %eq3A_580 = arith.cmpi eq, %iota3A, %eq3A_579 : vector<16xi32>
      %jit3A_581 = arith.constant 0 : i32
      %broadcast_in_dim3A_582 = vector.broadcast %jit3A_581 : i32 to vector<16xi32>
      %select_n3A_583 = arith.select %eq3A_580, %select_n3A_60, %broadcast_in_dim3A_582 : vector<16xi1>, vector<16xi32>
      %reduce_sum3A_584 = arith.constant true
      %reduce_sum3A_585 = vector.broadcast %reduce_sum3A_584 : i1 to vector<16xi1>
      %reduce_sum3A_586 = tpu.scan <sum>, %select_n3A_583 masked %reduce_sum3A_585 : vector<16xi32>, vector<16xi1> -> vector<16xi32>
      %reduce_sum3A_587 = vector.extract %reduce_sum3A_586[15] : i32 from vector<16xi32>
      %mul3A_588 = arith.constant 16 : i32
      %mul3A_589 = arith.muli %scan3A_14, %mul3A_588 : i32
      %add3A_590 = arith.constant 15 : i32
      %add3A_591 = arith.addi %mul3A_589, %add3A_590 : i32
      %dma_start3A_592 = arith.constant 0 : i32
      %dma_start3A_593 = tpu.memref_slice %arg6[%add3A_591, %dma_start3A_592] : memref<128x64xf32, #tpu.memory_space<vmem>> -> memref<1x64xf32, #tpu.memory_space<vmem>>
      %dma_start3A_594 = arith.constant 0 : i32
      %dma_start3A_595 = tpu.memref_slice %arg2[%reduce_sum3A_577, %reduce_sum3A_587, %dma_start3A_594] : memref<2x50000x64xf32, #tpu.memory_space<hbm>> -> memref<1x1x64xf32, #tpu.memory_space<hbm>>
      %dma_start3A_596 = tpu.memref_squeeze %dma_start3A_595 : memref<1x1x64xf32, #tpu.memory_space<hbm>> -> memref<1x64xf32, #tpu.memory_space<hbm>>
      %dma_start3A_597 = arith.constant 0 : i32
      %dma_start3A_598 = tpu.memref_slice %arg6[%add3A_591, %dma_start3A_597] : memref<128x64xf32, #tpu.memory_space<vmem>> -> memref<1x64xf32, #tpu.memory_space<vmem>>
      %dma_start3A_599 = arith.constant 0 : i32
      %dma_start3A_600 = tpu.memref_slice %arg2[%reduce_sum3A_577, %reduce_sum3A_587, %dma_start3A_599] : memref<2x50000x64xf32, #tpu.memory_space<hbm>> -> memref<1x1x64xf32, #tpu.memory_space<hbm>>
      %dma_start3A_601 = tpu.memref_squeeze %dma_start3A_600 : memref<1x1x64xf32, #tpu.memory_space<hbm>> -> memref<1x64xf32, #tpu.memory_space<hbm>>
      tpu.enqueue_dma source(%dma_start3A_601 : memref<1x64xf32, #tpu.memory_space<hbm>>) target(%dma_start3A_598 : memref<1x64xf32, #tpu.memory_space<vmem>>) target_semaphore(%arg7 : memref<!tpu.dma_semaphore, #tpu.memory_space<semaphore_mem>>)
    }
    %scan3A_7 = arith.constant 8 : i32
    %scan3A_8 = arith.constant 0 : i32
    %scan3A_9 = arith.constant 0 : i32
    %scan3A_10 = arith.constant 128 : i32
    %scan3A_11 = arith.addi %scan3A_9, %scan3A_10 : i32
    %scan3A_12 = arith.constant 1 : i32
    scf.for %scan3A_14 = %scan3A_9 to %scan3A_11 step %scan3A_12  : i32 {
      %dma_wait3A = arith.constant 0 : i32
      %dma_wait3A_15 = arith.constant 0 : i32
      %dma_wait3A_16 = arith.constant 0 : i32
      %dma_wait3A_17 = tpu.memref_slice %arg6[%dma_wait3A_15, %dma_wait3A_16] : memref<128x64xf32, #tpu.memory_space<vmem>> -> memref<1x64xf32, #tpu.memory_space<vmem>>
      %dma_wait3A_18 = arith.constant 0 : i32
      %dma_wait3A_19 = arith.constant 0 : i32
      %dma_wait3A_20 = tpu.memref_slice %arg2[%dma_wait3A, %dma_wait3A_18, %dma_wait3A_19] : memref<2x50000x64xf32, #tpu.memory_space<hbm>> -> memref<1x1x64xf32, #tpu.memory_space<hbm>>
      %dma_wait3A_21 = tpu.memref_squeeze %dma_wait3A_20 : memref<1x1x64xf32, #tpu.memory_space<hbm>> -> memref<1x64xf32, #tpu.memory_space<hbm>>
      %dma_wait3A_22 = arith.constant 0 : i32
      %dma_wait3A_23 = arith.constant 0 : i32
      %dma_wait3A_24 = tpu.memref_slice %arg6[%dma_wait3A_22, %dma_wait3A_23] : memref<128x64xf32, #tpu.memory_space<vmem>> -> memref<1x64xf32, #tpu.memory_space<vmem>>
      %dma_wait3A_25 = arith.constant 0 : i32
      %dma_wait3A_26 = arith.constant 0 : i32
      %dma_wait3A_27 = tpu.memref_slice %arg2[%dma_wait3A, %dma_wait3A_25, %dma_wait3A_26] : memref<2x50000x64xf32, #tpu.memory_space<hbm>> -> memref<1x1x64xf32, #tpu.memory_space<hbm>>
      %dma_wait3A_28 = tpu.memref_squeeze %dma_wait3A_27 : memref<1x1x64xf32, #tpu.memory_space<hbm>> -> memref<1x64xf32, #tpu.memory_space<hbm>>
      tpu.wait_dma2 semaphore(%arg7 : memref<!tpu.dma_semaphore, #tpu.memory_space<semaphore_mem>>) src(%dma_wait3A_28 : memref<1x64xf32, #tpu.memory_space<hbm>>) dst(%dma_wait3A_24 : memref<1x64xf32, #tpu.memory_space<vmem>>)
    }
    %scan3A_13 = arith.constant 128 : i32
    "tpu.region"() ({
      %run_scoped3A = tpu.sem_alloc : memref<!tpu.dma_semaphore, #tpu.memory_space<semaphore_mem>>
      %dma_start3A = arith.constant 0 : i32
      %dma_start3A_14 = tpu.memref_slice %arg4[%mul3A_2, %dma_start3A] : memref<4096x64xf32, #tpu.memory_space<hbm>> -> memref<128x64xf32, #tpu.memory_space<hbm>>
      %dma_start3A_15 = arith.constant 0 : i32
      %dma_start3A_16 = tpu.memref_slice %arg4[%mul3A_2, %dma_start3A_15] : memref<4096x64xf32, #tpu.memory_space<hbm>> -> memref<128x64xf32, #tpu.memory_space<hbm>>
      tpu.enqueue_dma source(%arg6 : memref<128x64xf32, #tpu.memory_space<vmem>>) target(%dma_start3A_16 : memref<128x64xf32, #tpu.memory_space<hbm>>) target_semaphore(%run_scoped3A : memref<!tpu.dma_semaphore, #tpu.memory_space<semaphore_mem>>)
      %dma_wait3A = arith.constant 0 : i32
      %dma_wait3A_17 = tpu.memref_slice %arg4[%mul3A_2, %dma_wait3A] : memref<4096x64xf32, #tpu.memory_space<hbm>> -> memref<128x64xf32, #tpu.memory_space<hbm>>
      %dma_wait3A_18 = arith.constant 0 : i32
      %dma_wait3A_19 = tpu.memref_slice %arg4[%mul3A_2, %dma_wait3A_18] : memref<4096x64xf32, #tpu.memory_space<hbm>> -> memref<128x64xf32, #tpu.memory_space<hbm>>
      tpu.wait_dma2 semaphore(%run_scoped3A : memref<!tpu.dma_semaphore, #tpu.memory_space<semaphore_mem>>) src(%arg6 : memref<128x64xf32, #tpu.memory_space<vmem>>) dst(%dma_wait3A_19 : memref<128x64xf32, #tpu.memory_space<hbm>>)
      tpu.yield
    }) : () -> ()
    return
  }
}

module attributes {stable_mosaic.version = 14 : i64} {
  func.func @_tc_body(%arg0: i32, %arg1: memref<512x4096xf32, #tpu.memory_space<vmem>>, %arg2: memref<4096x64xf32, #tpu.memory_space<vmem>>, %arg3: memref<64x64xf32, #tpu.memory_space<vmem>>, %arg4: memref<64x1xf32, #tpu.memory_space<vmem>>, %arg5: memref<1x64xf32, #tpu.memory_space<vmem>>, %arg6: memref<64x2xf32, #tpu.memory_space<vmem>>, %arg7: memref<1x2xf32, #tpu.memory_space<vmem>>, %arg8: memref<512x4096xf32, #tpu.memory_space<vmem>>, %arg9: memref<512x64xf32, #tpu.memory_space<vmem>>, %arg10: memref<1x64xf32, #tpu.memory_space<vmem>>, %arg11: memref<1x2xf32, #tpu.memory_space<vmem>>, %arg12: memref<4096x64xf32, #tpu.memory_space<vmem>>, %arg13: memref<1x4096xf32, #tpu.memory_space<vmem>>, %arg14: memref<1x64xf32, #tpu.memory_space<vmem>>) attributes {dimension_semantics = [#tpu.dimension_semantics<arbitrary>], iteration_bounds = array<i64: 8>, scalar_prefetch = 0 : i64, scratch_operands = 3 : i64, tpu.core_type = #tpu.core_type<tc>, window_params = [{transform_indices = @transform_0, window_bounds = array<i64: 512, 4096>}, {pipeline_mode = #tpu.pipeline_mode<synchronous>, transform_indices = @transform_1, window_bounds = array<i64: 4096, 64>}, {pipeline_mode = #tpu.pipeline_mode<synchronous>, transform_indices = @transform_2, window_bounds = array<i64: 64, 64>}, {pipeline_mode = #tpu.pipeline_mode<synchronous>, transform_indices = @transform_3, window_bounds = array<i64: 64, 1>}, {pipeline_mode = #tpu.pipeline_mode<synchronous>, transform_indices = @transform_4, window_bounds = array<i64: 1, 64>}, {pipeline_mode = #tpu.pipeline_mode<synchronous>, transform_indices = @transform_5, window_bounds = array<i64: 64, 2>}, {pipeline_mode = #tpu.pipeline_mode<synchronous>, transform_indices = @transform_6, window_bounds = array<i64: 1, 2>}, {transform_indices = @transform_7, window_bounds = array<i64: 512, 4096>}, {transform_indices = @transform_8, window_bounds = array<i64: 512, 64>}, {pipeline_mode = #tpu.pipeline_mode<synchronous>, transform_indices = @transform_9, window_bounds = array<i64: 1, 64>}, {pipeline_mode = #tpu.pipeline_mode<synchronous>, transform_indices = @transform_10, window_bounds = array<i64: 1, 2>}]} {
    %eq3A = arith.constant 0 : i32
    %eq3A_0 = arith.cmpi eq, %arg0, %eq3A : i32
    %convert_element_type3A = arith.extui %eq3A_0 : i1 to i32
    %cond3A = arith.constant 0 : i32
    %cond3A_1 = arith.cmpi ne, %convert_element_type3A, %cond3A : i32
    scf.if %cond3A_1 {
      %get3A_61 = arith.constant 0 : index
      %get3A_62 = arith.constant 0 : index
      %get3A_63 = vector.load %arg2[%get3A_61, %get3A_62] : memref<4096x64xf32, #tpu.memory_space<vmem>>, vector<4096x64xf32>
      %get3A_64 = arith.constant 0 : index
      %get3A_65 = arith.constant 0 : index
      %get3A_66 = vector.load %arg3[%get3A_64, %get3A_65] : memref<64x64xf32, #tpu.memory_space<vmem>>, vector<64x64xf32>
      %dot_general3A_67 = arith.constant dense<0.000000e+00> : vector<4096x64xf32>
      %dot_general3A_68 = tpu.matmul %get3A_63, %get3A_66, %dot_general3A_67 {dimension_numbers = #tpu.dot_dimension_numbers<[1], [0], [0], [1], [0, 0, 1, 1], [], []>, transpose_lhs_hint = false} : vector<4096x64xf32>, vector<64x64xf32>, vector<4096x64xf32> -> vector<4096x64xf32>
      %swap3A_69 = arith.constant 0 : index
      %swap3A_70 = arith.constant 0 : index
      %swap3A_71 = vector.load %arg12[%swap3A_69, %swap3A_70] : memref<4096x64xf32, #tpu.memory_space<vmem>>, vector<4096x64xf32>
      tpu.vector_store %arg12[%swap3A_69, %swap3A_70], %dot_general3A_68 {strides = array<i32>} : memref<4096x64xf32, #tpu.memory_space<vmem>>, vector<4096x64xf32>,
      %get3A_72 = arith.constant 0 : index
      %get3A_73 = arith.constant 0 : index
      %get3A_74 = vector.load %arg5[%get3A_72, %get3A_73] : memref<1x64xf32, #tpu.memory_space<vmem>>, vector<1x64xf32>
      %dot_general3A_75 = arith.constant dense<0.000000e+00> : vector<1x4096xf32>
      %dot_general3A_76 = tpu.matmul %get3A_74, %dot_general3A_68, %dot_general3A_75 {dimension_numbers = #tpu.dot_dimension_numbers<[1], [1], [0], [0], [0, 0, 1, 0], [], []>, transpose_lhs_hint = false} : vector<1x64xf32>, vector<4096x64xf32>, vector<1x4096xf32> -> vector<1x4096xf32>
      %swap3A_77 = arith.constant 0 : index
      %swap3A_78 = arith.constant 0 : index
      %swap3A_79 = vector.load %arg13[%swap3A_77, %swap3A_78] : memref<1x4096xf32, #tpu.memory_space<vmem>>, vector<1x4096xf32>
      tpu.vector_store %arg13[%swap3A_77, %swap3A_78], %dot_general3A_76 {strides = array<i32>} : memref<1x4096xf32, #tpu.memory_space<vmem>>, vector<1x4096xf32>,
      %broadcast_in_dim3A_80 = arith.constant 0.000000e+00 : f32
      %broadcast_in_dim3A_81 = vector.broadcast %broadcast_in_dim3A_80 : f32 to vector<1x64xf32>
      %swap3A_82 = arith.constant 0 : index
      %swap3A_83 = arith.constant 0 : index
      %swap3A_84 = vector.load %arg14[%swap3A_82, %swap3A_83] : memref<1x64xf32, #tpu.memory_space<vmem>>, vector<1x64xf32>
      tpu.vector_store %arg14[%swap3A_82, %swap3A_83], %broadcast_in_dim3A_81 {strides = array<i32>} : memref<1x64xf32, #tpu.memory_space<vmem>>, vector<1x64xf32>,
    } else {
    }
    %mul3A = arith.constant 512 : i32
    %mul3A_2 = arith.muli %arg0, %mul3A : i32
    %multiple_of3A = tpu.assume_multiple %mul3A_2, 512 : i32
    %get3A = arith.index_cast %multiple_of3A : i32 to index
    %get3A_3 = arith.constant 0 : index
    %get3A_4 = vector.load %arg12[%get3A, %get3A_3] : memref<4096x64xf32, #tpu.memory_space<vmem>>, vector<512x64xf32>
    %get3A_5 = arith.constant 0 : index
    %get3A_6 = arith.constant 0 : index
    %get3A_7 = vector.load %arg4[%get3A_5, %get3A_6] : memref<64x1xf32, #tpu.memory_space<vmem>>, vector<64x1xf32>
    %dot_general3A = arith.constant dense<0.000000e+00> : vector<512x1xf32>
    %dot_general3A_8 = tpu.matmul %get3A_4, %get3A_7, %dot_general3A {dimension_numbers = #tpu.dot_dimension_numbers<[1], [0], [0], [1], [0, 0, 1, 1], [], []>, transpose_lhs_hint = false} : vector<512x64xf32>, vector<64x1xf32>, vector<512x1xf32> -> vector<512x1xf32>
    %get3A_9 = arith.constant 0 : index
    %get3A_10 = arith.constant 0 : index
    %get3A_11 = vector.load %arg13[%get3A_9, %get3A_10] : memref<1x4096xf32, #tpu.memory_space<vmem>>, vector<1x4096xf32>
    %add3A = vector.broadcast %dot_general3A_8 : vector<512x1xf32> to vector<512x4096xf32>
    %add3A_12 = vector.broadcast %get3A_11 : vector<1x4096xf32> to vector<512x4096xf32>
    %add3A_13 = arith.addf %add3A, %add3A_12 : vector<512x4096xf32>
    %mul3A_14 = arith.constant 0.00999999977 : f32
    %mul3A_15 = vector.broadcast %mul3A_14 : f32 to vector<512x4096xf32>
    %mul3A_16 = arith.mulf %mul3A_15, %add3A_13 : vector<512x4096xf32>
    %max3A = arith.maximumf %add3A_13, %mul3A_16 : vector<512x4096xf32>
    %get3A_17 = arith.constant 0 : index
    %get3A_18 = arith.constant 0 : index
    %get3A_19 = vector.load %arg1[%get3A_17, %get3A_18] : memref<512x4096xf32, #tpu.memory_space<vmem>>, vector<512x4096xf32>
    %gt3A = arith.constant 0.000000e+00 : f32
    %gt3A_20 = vector.broadcast %gt3A : f32 to vector<512x4096xf32>
    %gt3A_21 = arith.cmpf ogt, %get3A_19, %gt3A_20 : vector<512x4096xf32>
    %jit3A = arith.constant -9.000000e+15 : f32
    %broadcast_in_dim3A = vector.broadcast %jit3A : f32 to vector<512x4096xf32>
    %select_n3A = arith.select %gt3A_21, %max3A, %broadcast_in_dim3A : vector<512x4096xi1>, vector<512x4096xf32>
    %reduce_max3A = arith.constant dense<0xFF800000> : vector<512xf32>
    %reduce_max3A_22 = vector.multi_reduction <maximumf>, %select_n3A, %reduce_max3A [1] : vector<512x4096xf32> to vector<512xf32>
    %broadcast_in_dim3A_23 = vector.shape_cast %reduce_max3A_22 : vector<512xf32> to vector<512x1xf32>
    %sub3A = vector.broadcast %broadcast_in_dim3A_23 : vector<512x1xf32> to vector<512x4096xf32>
    %sub3A_24 = arith.subf %select_n3A, %sub3A : vector<512x4096xf32>
    %exp3A = math.exp %sub3A_24 : vector<512x4096xf32>
    %reduce_sum3A = arith.constant dense<0.000000e+00> : vector<512xf32>
    %reduce_sum3A_25 = vector.multi_reduction <add>, %exp3A, %reduce_sum3A [1] : vector<512x4096xf32> to vector<512xf32>
    %broadcast_in_dim3A_26 = vector.shape_cast %reduce_sum3A_25 : vector<512xf32> to vector<512x1xf32>
    %div3A = vector.broadcast %broadcast_in_dim3A_26 : vector<512x1xf32> to vector<512x4096xf32>
    %div3A_27 = arith.divf %exp3A, %div3A : vector<512x4096xf32>
    %swap3A = arith.constant 0 : index
    %swap3A_28 = arith.constant 0 : index
    %swap3A_29 = vector.load %arg8[%swap3A, %swap3A_28] : memref<512x4096xf32, #tpu.memory_space<vmem>>, vector<512x4096xf32>
    tpu.vector_store %arg8[%swap3A, %swap3A_28], %div3A_27 {strides = array<i32>} : memref<512x4096xf32, #tpu.memory_space<vmem>>, vector<512x4096xf32>,
    %get3A_30 = arith.constant 0 : index
    %get3A_31 = arith.constant 0 : index
    %get3A_32 = vector.load %arg12[%get3A_30, %get3A_31] : memref<4096x64xf32, #tpu.memory_space<vmem>>, vector<4096x64xf32>
    %dot_general3A_33 = arith.constant dense<0.000000e+00> : vector<512x64xf32>
    %dot_general3A_34 = tpu.matmul %div3A_27, %get3A_32, %dot_general3A_33 {dimension_numbers = #tpu.dot_dimension_numbers<[1], [0], [0], [1], [0, 0, 1, 1], [], []>, transpose_lhs_hint = false} : vector<512x4096xf32>, vector<4096x64xf32>, vector<512x64xf32> -> vector<512x64xf32>
    %gt3A_35 = arith.constant 0.000000e+00 : f32
    %gt3A_36 = vector.broadcast %gt3A_35 : f32 to vector<512x64xf32>
    %gt3A_37 = arith.cmpf ogt, %dot_general3A_34, %gt3A_36 : vector<512x64xf32>
    %exp3A_38 = math.exp %dot_general3A_34 : vector<512x64xf32>
    %sub3A_39 = arith.constant 1.000000e+00 : f32
    %sub3A_40 = vector.broadcast %sub3A_39 : f32 to vector<512x64xf32>
    %sub3A_41 = arith.subf %exp3A_38, %sub3A_40 : vector<512x64xf32>
    %select_n3A_42 = arith.select %gt3A_37, %dot_general3A_34, %sub3A_41 : vector<512x64xi1>, vector<512x64xf32>
    %swap3A_43 = arith.constant 0 : index
    %swap3A_44 = arith.constant 0 : index
    %swap3A_45 = vector.load %arg9[%swap3A_43, %swap3A_44] : memref<512x64xf32, #tpu.memory_space<vmem>>, vector<512x64xf32>
    tpu.vector_store %arg9[%swap3A_43, %swap3A_44], %select_n3A_42 {strides = array<i32>} : memref<512x64xf32, #tpu.memory_space<vmem>>, vector<512x64xf32>,
    %get3A_46 = arith.constant 0 : index
    %get3A_47 = arith.constant 0 : index
    %get3A_48 = vector.load %arg14[%get3A_46, %get3A_47] : memref<1x64xf32, #tpu.memory_space<vmem>>, vector<1x64xf32>
    %reduce_sum3A_49 = arith.constant dense<0.000000e+00> : vector<64xf32>
    %reduce_sum3A_50 = vector.multi_reduction <add>, %select_n3A_42, %reduce_sum3A_49 [0] : vector<512x64xf32> to vector<64xf32>
    %broadcast_in_dim3A_51 = vector.shape_cast %reduce_sum3A_50 : vector<64xf32> to vector<1x64xf32>
    %add3A_52 = arith.addf %get3A_48, %broadcast_in_dim3A_51 : vector<1x64xf32>
    %swap3A_53 = arith.constant 0 : index
    %swap3A_54 = arith.constant 0 : index
    %swap3A_55 = vector.load %arg14[%swap3A_53, %swap3A_54] : memref<1x64xf32, #tpu.memory_space<vmem>>, vector<1x64xf32>
    tpu.vector_store %arg14[%swap3A_53, %swap3A_54], %add3A_52 {strides = array<i32>} : memref<1x64xf32, #tpu.memory_space<vmem>>, vector<1x64xf32>,
    %eq3A_56 = arith.constant 7 : i32
    %eq3A_57 = arith.cmpi eq, %arg0, %eq3A_56 : i32
    %convert_element_type3A_58 = arith.extui %eq3A_57 : i1 to i32
    %cond3A_59 = arith.constant 0 : i32
    %cond3A_60 = arith.cmpi ne, %convert_element_type3A_58, %cond3A_59 : i32
    scf.if %cond3A_60 {
      %get3A_61 = arith.constant 0 : index
      %get3A_62 = arith.constant 0 : index
      %get3A_63 = vector.load %arg14[%get3A_61, %get3A_62] : memref<1x64xf32, #tpu.memory_space<vmem>>, vector<1x64xf32>
      %div3A_64 = arith.constant 4.096000e+03 : f32
      %div3A_65 = vector.broadcast %div3A_64 : f32 to vector<1x64xf32>
      %div3A_66 = arith.divf %get3A_63, %div3A_65 : vector<1x64xf32>
      %swap3A_67 = arith.constant 0 : index
      %swap3A_68 = arith.constant 0 : index
      %swap3A_69 = vector.load %arg10[%swap3A_67, %swap3A_68] : memref<1x64xf32, #tpu.memory_space<vmem>>, vector<1x64xf32>
      tpu.vector_store %arg10[%swap3A_67, %swap3A_68], %div3A_66 {strides = array<i32>} : memref<1x64xf32, #tpu.memory_space<vmem>>, vector<1x64xf32>,
      %get3A_70 = arith.constant 0 : index
      %get3A_71 = arith.constant 0 : index
      %get3A_72 = vector.load %arg6[%get3A_70, %get3A_71] : memref<64x2xf32, #tpu.memory_space<vmem>>, vector<64x2xf32>
      %dot_general3A_73 = arith.constant dense<0.000000e+00> : vector<1x2xf32>
      %dot_general3A_74 = tpu.matmul %div3A_66, %get3A_72, %dot_general3A_73 {dimension_numbers = #tpu.dot_dimension_numbers<[1], [0], [0], [1], [0, 0, 1, 1], [], []>, transpose_lhs_hint = false} : vector<1x64xf32>, vector<64x2xf32>, vector<1x2xf32> -> vector<1x2xf32>
      %get3A_75 = arith.constant 0 : index
      %get3A_76 = arith.constant 0 : index
      %get3A_77 = vector.load %arg7[%get3A_75, %get3A_76] : memref<1x2xf32, #tpu.memory_space<vmem>>, vector<1x2xf32>
      %add3A_78 = arith.addf %dot_general3A_74, %get3A_77 : vector<1x2xf32>
      %reduce_max3A_79 = arith.constant dense<0xFF800000> : vector<1xf32>
      %reduce_max3A_80 = vector.multi_reduction <maximumf>, %add3A_78, %reduce_max3A_79 [1] : vector<1x2xf32> to vector<1xf32>
      %broadcast_in_dim3A_81 = vector.shape_cast %reduce_max3A_80 : vector<1xf32> to vector<1x1xf32>
      %sub3A_82 = vector.broadcast %broadcast_in_dim3A_81 : vector<1x1xf32> to vector<1x2xf32>
      %sub3A_83 = arith.subf %add3A_78, %sub3A_82 : vector<1x2xf32>
      %exp3A_84 = math.exp %sub3A_83 : vector<1x2xf32>
      %reduce_sum3A_85 = arith.constant dense<0.000000e+00> : vector<1xf32>
      %reduce_sum3A_86 = vector.multi_reduction <add>, %exp3A_84, %reduce_sum3A_85 [1] : vector<1x2xf32> to vector<1xf32>
      %broadcast_in_dim3A_87 = vector.shape_cast %reduce_sum3A_86 : vector<1xf32> to vector<1x1xf32>
      %div3A_88 = vector.broadcast %broadcast_in_dim3A_87 : vector<1x1xf32> to vector<1x2xf32>
      %div3A_89 = arith.divf %exp3A_84, %div3A_88 : vector<1x2xf32>
      %swap3A_90 = arith.constant 0 : index
      %swap3A_91 = arith.constant 0 : index
      %swap3A_92 = vector.load %arg11[%swap3A_90, %swap3A_91] : memref<1x2xf32, #tpu.memory_space<vmem>>, vector<1x2xf32>
      tpu.vector_store %arg11[%swap3A_90, %swap3A_91], %div3A_89 {strides = array<i32>} : memref<1x2xf32, #tpu.memory_space<vmem>>, vector<1x2xf32>,
    } else {
    }
    return
  }
  func.func @transform_0(%arg0: i32) -> (i32, i32) {
    %c0_i32 = arith.constant 0 : i32
    %c0_i32_0 = arith.constant 0 : i32
    return %arg0, %c0_i32 : i32, i32
  }
  func.func @transform_1(%arg0: i32) -> (i32, i32) {
    %c0_i32 = arith.constant 0 : i32
    %c0_i32_0 = arith.constant 0 : i32
    %c0_i32_1 = arith.constant 0 : i32
    return %c0_i32, %c0_i32_0 : i32, i32
  }
  func.func @transform_2(%arg0: i32) -> (i32, i32) {
    %c0_i32 = arith.constant 0 : i32
    %c0_i32_0 = arith.constant 0 : i32
    %c0_i32_1 = arith.constant 0 : i32
    return %c0_i32, %c0_i32_0 : i32, i32
  }
  func.func @transform_3(%arg0: i32) -> (i32, i32) {
    %c0_i32 = arith.constant 0 : i32
    %c0_i32_0 = arith.constant 0 : i32
    %c0_i32_1 = arith.constant 0 : i32
    return %c0_i32, %c0_i32_0 : i32, i32
  }
  func.func @transform_4(%arg0: i32) -> (i32, i32) {
    %c0_i32 = arith.constant 0 : i32
    %c0_i32_0 = arith.constant 0 : i32
    %c0_i32_1 = arith.constant 0 : i32
    return %c0_i32, %c0_i32_0 : i32, i32
  }
  func.func @transform_5(%arg0: i32) -> (i32, i32) {
    %c0_i32 = arith.constant 0 : i32
    %c0_i32_0 = arith.constant 0 : i32
    %c0_i32_1 = arith.constant 0 : i32
    return %c0_i32, %c0_i32_0 : i32, i32
  }
  func.func @transform_6(%arg0: i32) -> (i32, i32) {
    %c0_i32 = arith.constant 0 : i32
    %c0_i32_0 = arith.constant 0 : i32
    %c0_i32_1 = arith.constant 0 : i32
    return %c0_i32, %c0_i32_0 : i32, i32
  }
  func.func @transform_7(%arg0: i32) -> (i32, i32) {
    %c0_i32 = arith.constant 0 : i32
    %c0_i32_0 = arith.constant 0 : i32
    return %arg0, %c0_i32 : i32, i32
  }
  func.func @transform_8(%arg0: i32) -> (i32, i32) {
    %c0_i32 = arith.constant 0 : i32
    %c0_i32_0 = arith.constant 0 : i32
    return %arg0, %c0_i32 : i32, i32
  }
  func.func @transform_9(%arg0: i32) -> (i32, i32) {
    %c0_i32 = arith.constant 0 : i32
    %c0_i32_0 = arith.constant 0 : i32
    %c0_i32_1 = arith.constant 0 : i32
    return %c0_i32, %c0_i32_0 : i32, i32
  }
  func.func @transform_10(%arg0: i32) -> (i32, i32) {
    %c0_i32 = arith.constant 0 : i32
    %c0_i32_0 = arith.constant 0 : i32
    %c0_i32_1 = arith.constant 0 : i32
    return %c0_i32, %c0_i32_0 : i32, i32
  }
}

</mosaic_0001>

<sc_bundles>
// kernel: kernel.4.cloned.1.call-start
scs
__scs_entry_jumppad:
0x0: {  	(pc) =	sbr.rel $0x88, $3  }
0x1: {  	(tag) =	ssettag $0x0;
	lr =	simm.s32 $0x1  }
0x2: {  	[smem:$0x3F9A] =	sst lr;
	_ =	strace $0xD0000000  }
0x3: {  	_ = 	snop  }
0x4: {  	_ = 	snop  }
0x5: {  	_ = 	snop  }
0x6: {  	_ = 	snop  }
0x7: {  	_ = 	snop  }
__scs_overlays_trampoline_lowered:
0x8: {  	[smem:$0x3FA9] =	sst s0  }
0x9: {  	[smem:$0x3FAA] =	sst s1  }
0xa: {  	[smem:$0x3FAB] =	sst s2  }
0xb: {  	[smem:$0x3FAC] =	sst s3  }
0xc: {  	[smem:$0x3FAD] =	sst s4  }
0xd: {  	[smem:$0x3FAE] =	sst s5  }
0xe: {  	[smem:$0x3FAF] =	sst s6  }
0xf: {  	[smem:$0x3FB0] =	sst s7  }
0x10: {  	[smem:$0x3FB1] =	sst s8  }
0x11: {  	[smem:$0x3FB2] =	sst s9;
	s0 =	simm.s32 @!p0 $0x0  }
0x12: {  	s1 =	sld [smem:$0x3F98];
	s0 =	simm.s32 @p0 $0x1  }
0x13: {  	[smem:$0x3FB3] =	sst s0;
	s0 =	simm.s32 @!p1 $0x0  }
0x14: {  	s2 =	sld [smem:$0x3F97];
	s0 =	simm.s32 @p1 $0x1  }
0x15: {  	[smem:$0x3FB4] =	sst s0;
	s0 =	simm.s32 @!p2 $0x0  }
0x16: {  	s3 =	sld [smem:$0x3FDB];
	s0 =	simm.s32 @p2 $0x1  }
0x17: {  	s4 =	simm.s32 $0x1BF5;
	[smem:$0x3FB6] =	sst s0  }
0x18: {  	s0 =	sld [smem:$0x3F99];
	_ =	swait.ge [sflag:s4], $0x0  }
0x19: {  	s7 =	sld [smem:$0x3F9A]  }
0x1a: {  	s8 =	sadd.s32 $0xFFFFE003, lr  }
0x1b: {  	s9 =	sadd.s32 $0xFFFFFEF7, lr;
	s5 =	simm.s32 $0xFFFFFFFF;
	p2 =	slt.u32 s8, $0xFFFFF086  }
0x1c: {  	p1 =	slt.u32 s9, $0xF7A;
	s5 =	simm.s32 @!p2 $0x0  }
0x1d: {  	s5 =	simm.s32 @p1 $0x1;
	p0 =	seq.s32 s7, s2  }
0x1e: {  	s7 =	smul.u32 @!p0 $0xF7A, s2;
	p2 =	seq.s32 @!p0 s5, $0x0  }
0x1f: {  	s9 =	smul.u32 $0xF7A, s1;
	s8 =	simm.s32 @!p0 $0x1BF5;
	p2 =	por !p2, p0  }
0x20: {  	[sflag:s8] =	ssyncset.s32 @!p0 $0xFFFFF086;
	s6 =	sadd.s32 @!p0 s3, s7;
	s7 =	simm.s32 @!p0 $0x108  }
0x21: {  	s3 =	sadd.s32 s3, s9;
	s6 =	sadd.s32 @!p0 $0x88, s6;
	s7 =	simm.s32 @p2 $0x1082  }
0x22: {  	[simem:s7], [sflag:s8] =	dma.local @!p0 [hbm:s6], $0xF7A  }
0x23: {  	s9 =	sor.u32 $0xD0000000, s2;
	s6 =	simm.s32 $0x108;
	_ =	swait.ge @!p0 [sflag:s8], $0x0  }
0x24: {  	s3 =	sadd.s32 $0x88, s3;
	s6 =	simm.s32 @!p1 $0x1082;
	[sflag:s4] =	ssyncset.s32 $0xFFFFF086  }
0x25: {  	[simem:s6], [sflag:s4] =	dma.local [hbm:s3], $0xF7A  }
0x26: {  	[smem:$0x3F9A] =	sst s1;
	(tag) =	ssettag s2;
	_ =	strace s9  }
0x27: {  	s1 =	sld [smem:$0x3FAA]  }
0x28: {  	s2 =	sld [smem:$0x3FAB]  }
0x29: {  	s4 =	sld [smem:$0x3FAD]  }
0x2a: {  	p0 =	seq.s32 s5, $0x0;
	s5 =	sld [smem:$0x3FAE]  }
0x2b: {  	s6 =	sld [smem:$0x3FAF]  }
0x2c: {  	s7 =	sld [smem:$0x3FB0]  }
0x2d: {  	s3 =	simm.s32 $0x108;
	s8 =	sld [smem:$0x3FB1]  }
0x2e: {  	s3 =	simm.s32 @!p0 $0x1082;
	s9 =	sld [smem:$0x3FB2]  }
0x2f: {  	lr =	sadd.s32 s0, s3;
	s0 =	sld [smem:$0x3FA9]  }
0x30: {  	s3 =	sld [smem:$0x3FAC]  }
0x31: {  	[smem:$0x3FB5] =	sst s10  }
0x32: {  	s10 =	sld [smem:$0x3FB3];
	_ =	sdelay $0x3  }
0x33: {  	p0 =	seq.s32 s10, $0x1;
	s10 =	sld [smem:$0x3FB5];
	_ =	sdelay $0x3  }
0x34: {  	[smem:$0x3FB5] =	sst s10  }
0x35: {  	s10 =	sld [smem:$0x3FB4];
	_ =	sdelay $0x3  }
0x36: {  	p1 =	seq.s32 s10, $0x1;
	s10 =	sld [smem:$0x3FB5];
	_ =	sdelay $0x3  }
0x37: {  	[smem:$0x3FB5] =	sst s10  }
0x38: {  	s10 =	sld [smem:$0x3FB6]  }
0x39: {  	_ = 	snop;
	(pc) =	sbr.ind lr, $3  }
0x3a: {  	_ = 	snop  }
0x3b: {  	_ = 	snop  }
0x3c: {  	p2 =	seq.s32 s10, $0x1;
	s10 =	sld [smem:$0x3FB5]  }
0x3d: {  	_ =	shalt  }
0x3e: {  	_ =	shalt  }
0x3f: {  	_ =	shalt  }
0x40: {  	_ =	shalt  }
0x41: {  	_ =	shalt  }
0x42: {  	_ =	shalt  }
0x43: {  	_ =	shalt  }
0x44: {  	_ =	shalt  }
0x45: {  	_ =	shalt  }
0x46: {  	_ =	shalt  }
0x47: {  	_ =	shalt  }
0x48: {  	_ =	shalt  }
0x49: {  	_ =	shalt  }
0x4a: {  	_ =	shalt  }
0x4b: {  	_ =	shalt  }
0x4c: {  	_ =	shalt  }
0x4d: {  	_ =	shalt  }
0x4e: {  	_ =	shalt  }
0x4f: {  	_ =	shalt  }
0x50: {  	_ =	shalt  }
0x51: {  	_ =	shalt  }
0x52: {  	_ =	shalt  }
0x53: {  	_ =	shalt  }
0x54: {  	_ =	shalt  }
0x55: {  	_ =	shalt  }
0x56: {  	_ =	shalt  }
0x57: {  	_ =	shalt  }
0x58: {  	_ =	shalt  }
0x59: {  	_ =	shalt  }
0x5a: {  	_ =	shalt  }
0x5b: {  	_ =	shalt  }
0x5c: {  	_ =	shalt  }
0x5d: {  	_ =	shalt  }
0x5e: {  	_ =	shalt  }
0x5f: {  	_ =	shalt  }
0x60: {  	_ =	shalt  }
0x61: {  	_ =	shalt  }
0x62: {  	_ =	shalt  }
0x63: {  	_ =	shalt  }
0x64: {  	_ =	shalt  }
0x65: {  	_ =	shalt  }
0x66: {  	_ =	shalt  }
0x67: {  	_ =	shalt  }
0x68: {  	_ =	shalt  }
0x69: {  	_ =	shalt  }
0x6a: {  	_ =	shalt  }
0x6b: {  	_ =	shalt  }
0x6c: {  	_ =	shalt  }
0x6d: {  	_ =	shalt  }
0x6e: {  	_ =	shalt  }
0x6f: {  	_ =	shalt  }
0x70: {  	_ =	shalt  }
0x71: {  	_ =	shalt  }
0x72: {  	_ =	shalt  }
0x73: {  	_ =	shalt  }
0x74: {  	_ =	shalt  }
0x75: {  	_ =	shalt  }
0x76: {  	_ =	shalt  }
0x77: {  	_ =	shalt  }
0x78: {  	_ =	shalt  }
0x79: {  	_ =	shalt  }
0x7a: {  	_ =	shalt  }
0x7b: {  	_ =	shalt  }
0x7c: {  	_ =	shalt  }
0x7d: {  	_ =	shalt  }
0x7e: {  	_ =	shalt  }
0x7f: {  	_ =	shalt  }
0x80: {  	_ =	shalt  }
0x81: {  	_ =	shalt  }
0x82: {  	_ =	shalt  }
0x83: {  	_ =	shalt  }
0x84: {  	_ =	shalt  }
0x85: {  	_ =	shalt  }
0x86: {  	_ =	shalt  }
0x87: {  	_ =	shalt  }
.Lfunc_end0:
.L_simem_size_0:
called_computation_lowered:
.L_overlay_start_0:
0x88: {  	s2 =	sld [smem:$0x3FD9]  }
0x89: {  	s3 =	sld [smem:$0x3FFE];
	_ =	sdelay $0x1  }
0x8a: {  	s1 =	srdreg.scid  }
0x8b: {  	s0 =	sand.u32 $0x1, s1  }
0x8c: {  	s14 =	sshll.u32 s0, $0xA;
	s2 =	sadd.s32 s3, s2  }
0x8d: {  	s2 =	sadd.s32 s2, s14  }
0x8e: {  	[smem:$0x3FC1] =	sst s2  }
0x8f: {  	_ = 	snop  }
0x90: {  	s2 =	sld [smem:$0x3FD0];
	_ =	sdelay $0x2  }
0x91: {  	s4 =	simm.s32 $0xA;
	s5 =	simm.s32 $0x10;
	s15 =	sld [smem:$0x3FC9]  }
0x92: {  	[smem:s5], [sflag:s4] =	dma.local [hbm:s2], $0x1  }
0x93: {  	_ =	swait.eq [sflag:s4], $0x1  }
0x94: {  	[sflag:s4] =	ssyncset.done $0x0  }
0x95: {  	[sflag:s4] =	ssyncadd.s32 $0xFFFFFFFF  }
0x96: {  	s16 =	sld [smem:$0x11];
	(tm) =	ssettm $0x1  }
0x97: {  	s17 =	sld [smem:$0x3FFB];
	_ =	sdelay $0x3  }
0x98: {  	_ =	strace s17  }
0x99: {  	s4 =	sld [smem:$0x3FFC];
	_ =	sdelay $0x3  }
0x9a: {  	_ =	strace s4  }
0x9b: {  	s4 =	sld [smem:$0x3FFD];
	_ =	sdelay $0x3  }
0x9c: {  	_ =	strace s4  }
0x9d: {  	_ =	strace $0x8FFFFFFF  }
0x9e: {  	s18 =	sld [smem:$0x3FDB];
	_ =	sdelay $0x1  }
0x9f: {  	s19 =	simm.s32 $_scs_section_size  }
0xa0: {  	s6 =	simm.s32 $_size__tile_overlayer_lowered;
	s7 =	simm.s32 $_tile_overlayer_lowered  }
0xa1: {  	s22 =	simm.s32 $0x1BFF;
	s21 =	sshll.u32 s7, $0x1;
	s4 =	sadd.s32 s19, s18  }
0xa2: {  	s8 =	simm.s32 $0x0;
	s20 =	sshll.u32 s6, $0x1;
	s6 =	sadd.s32 s21, s4  }
0xa3: {  	[timem:s8], [sflag:s22] =	dma.local [hbm:s6], s20  }
0xa4: {  	_ =	swait.ge [sflag:s22], s20  }
0xa5: {  	s5 =	ssub.s32 $0x0, s20;
	[sflag:s22] =	ssyncset.done $0x0  }
0xa6: {  	[sflag:s22] =	ssyncadd.s32 s5;
	_ =	sdelay $0x1  }
0xa7: {  	s23 =	simm.s32 $0x1B8B  }
0xa8: {  	_ =	swait.ge [sflag:s23], $0x1  }
0xa9: {  	[sflag:s23] =	ssyncset.done $0x0  }
0xaa: {  	s25 =	simm.s32 $0x1B8E;
	s24 =	sld [smem:$0x3FFE];
	[sflag:s23] =	ssyncadd.s32 $0xFFFFFFFF  }
0xab: {  	s26 =	simm.s32 $execute0_lowered;
	[smem:$0x3FD2] =	sst s25  }
0xac: {  	s6 =	sshll.u32 s26, $0x1;
	_ =	strace $0x80000046;
	[dreg:$0x1] =	wrdreg $0xFFFFFFFF  }
0xad: {  	s28 =	simm.s32 $_size_execute0_lowered;
	s4 =	sadd.s32 s4, s6;
	[dreg:$0x0] =	wrdreg $0x0  }
0xae: {  	s6 =	sshll.u32 s28, $0x1;
	[dreg:$0x2] =	wrdreg s4  }
0xaf: {  	[dreg:$0x3] =	wrdreg s6  }
0xb0: {  	[dreg:$0x4] =	wrdreg $0xC0  }
0xb1: {  	_ =	task [dreg:s8], $0x5FFFF  }
0xb2: {  	[dreg:$0x1] =	wrdreg $0xFFFFFFFF  }
0xb3: {  	[dreg:$0x0] =	wrdreg $0x60  }
0xb4: {  	[dreg:$0x2] =	wrdreg s16  }
0xb5: {  	[dreg:$0x3] =	wrdreg s15  }
0xb6: {  	[dreg:$0x4] =	wrdreg s24  }
0xb7: {  	[dreg:$0x5] =	wrdreg $0x9  }
0xb8: {  	_ =	task.clear_ibuf [dreg:s8], $0x6FFFF;
	_ =	strace $0x90000046  }
0xb9: {  	s29 =	simm.s32 $0x9;
	_ =	strace $0x80000048  }
0xba: {  	_ =	swait.ge [sflag:s29], $0x1  }
0xbb: {  	[sflag:s29] =	ssyncadd.s32 $0xFFFFFFFF  }
0xbc: {  	_ =	strace $0x90000048  }
0xbd: {  	_ =	sfence  }
0xbe: {  	s30 =	sld [smem:$0x0];
	_ =	sdelay $0x2  }
0xbf: {  	s31 =	sshll.u32 s1, $0xD;
	s1 =	sshrl.u32 s1, $0x2  }
0xc0: {  	s3 =	sand.u32 $0x4000, s31;
	s1 =	sadd.s32 s1, s30  }
0xc1: {  	s0 =	sor.u32 s3, s0;
	s1 =	sshll.u32 s1, $0x11  }
0xc2: {  	s0 =	sor.u32 s1, s0  }
0xc3: {  	s0 =	sadd.s32 $0x8F2B, s0  }
0xc4: {  	[sflag:s0] =	ssyncadd.remote.s32 $0x1  }
0xc5: {  	_ =	sfence.sel $0xFFFF  }
0xc6: {  	[dreg:$0x0] =	wrdreg $0xFFFFFFFF;
	(pc) =	sbr.abs _section_cstart, $3  }
0xc7: {  	[dreg:$0x1] =	wrdreg $0xFFFFFFFF  }
0xc8: {  	_ =	task.clear_ibuf [dreg:s8], $0x2FFFF;
	_ =	strace $0x9FFFFFFF  }
0xc9: {  	(tm) =	ssettm $0x7FFFFFFF  }
tec
execute0_lowered:
.L_overlay_start_1:
0x0: {  	(tag) =	ssettag $0x1  }
0x1: {  	s0 =	rddreg [dreg:$0x0]  }
0x2: {  	v0 =	vimm.s32 $0xECA86420;
	vm15 =	vcmask $0xB08;
	s4 =	rddreg [dreg:$0x1];
	s6 =	srdreg.scid  }
0x3: {  	vm1 =	vcmask $0x1310;
	vm2 =	vcmask $0x1B18;
	vm3 =	vcmask $0x2320;
	s5 =	rddreg [dreg:$0x2];
	s1 =	stileid.u32;
	s6 =	sand.u32 $0x1, s6  }
0x4: {  	vm4 =	vcmask $0x2B28;
	s3 =	simm.s32 $0x0;
	vm7 =	vmmov $0x1;
	v3 =	vimm.s32 $0x0;
	s7 =	sshll.u32 s1, $0x8;
	s8 =	sshll.u32 s6, $0x7  }
0x5: {  	vm5 =	vcmask $0x3330;
	v1 =	vlaneseq.u32;
	[smem:$0x7FF] =	sst s3;
	v3 =	vsel vm7, $0xFFFFFFFF, v3;
	s6 =	ssub.s32 $0x2, s6;
	s7 =	sor.u32 s8, s7  }
0x6: {  	vm6 =	vcmask $0x3B38;
	vm9 =	vmmov $0xff;
	v2 =	vimm.s32 $0x0;
	[tilespmem:$0x1FFE0] =	vst v3;
	s9 =	sshrl.u32 s6, $0x1;
	s8 =	sshll.u32 s7, $0x4;
	s7 =	sshrl.u32 s7, $0x3  }
0x7: {  	vm10 =	vcmask $0x70C;
	vm11 =	vcmask $0xB10;
	vm12 =	vcmask $0xF14;
	_ =	strace $0x80000047;
	s6 =	ssub.s32 s6, s9;
	s29 =	sadd.s32 s4, s7  }
0x8: {  	vm13 =	vmmov $0x7fff;
	v0 =	vunpack.c.l.s4.s8 v0;
	v3 =	vimm.s32 $0x0;
	s5 =	sadd.s32 s8, s5;
	s31 =	smax.u32 s6, $0x1;
	[dreg:$0x4] =	wrdreg s29  }
0x9: {  	vm0 =	vcmask $0x1318;
	vm8 =	vcmask $0x171C;
	s2 =	simm.s32 $0x2;
	v3 =	vsel vm13, $0xFFFFFFFF, v3;
	s30 =	sadd.s32 $0xC00, s5;
	[dreg:$0x6] =	wrdreg s31  }
0xa: {  	v1 =	vmul.u32 $0x2, v1;
	vm7 =	vcmask $0x308;
	v0 =	vunpack.c.0.s8.s32 v0;
	[tilespmem:$0x1FFF0] =	vst v3;
	s8 =	simm.s32 $0x1;
	s4 =	simm.s32 $0x0;
	[dreg:$0x5] =	wrdreg s30  }
.LBB2_1:
0xb: {  	[dreg:$0x7] =	wrdreg s4  }
0xc: {  	s1 =	rddreg [dreg:$0x4]  }
0xd: {  	[tilespmem:s3], [sflag:$0x2] =	stream.linear.gather [hbm4b:s1+s3], $0x80, $0x38;
	[tilespmem:$0x4080] =	vst v63  }
0xe: {  	_ =	swait.ge [sflag:s2], $0x80  }
0xf: {  	[sflag:s2] =	ssyncset.done $0x0  }
0x10: {  	s11 =	simm.s32 $0x0;
	s12 =	simm.s32 $0x0;
	[sflag:s2] =	ssyncadd.s32 $0xFFFFFF80  }
.LBB2_2:
0x11: {  	v3 =	vld [tilespmem:s11+$0x0];
	_ =	sdelay $0x4  }
0x12: {  	(v2sf) =	vpush v3, $0xD;
	_ =	sdelay $0x1  }
0x13: {  	(v2sf) =	vpush v3, $0xC;
	_ =	sdelay $0x1  }
0x14: {  	(v2sf) =	vpush v3, $0xE;
	_ =	sdelay $0x1  }
0x15: {  	(v2sf) =	vpush v3, $0xF;
	_ =	sdelay $0x1  }
0x16: {  	(v2sf) =	vpush v3, $0x9;
	_ =	sdelay $0x1  }
0x17: {  	(v2sf) =	vpush v3, $0x8;
	_ =	sdelay $0x1  }
0x18: {  	(v2sf) =	vpush v3, $0xA;
	_ =	sdelay $0x1  }
0x19: {  	(v2sf) =	vpush v3, $0xB  }
0x1a: {  	s13 =	spop (v2sf)  }
0x1b: {  	(v2sf) =	vpush v3, $0x0;
	s14 =	smulhi.u32 $0x14F8B589, s13;
	s13 =	sshra.s32 s13, $0x1F  }
0x1c: {  	s15 =	spop (v2sf);
	s13 =	smul.u32 $0x14F8B589, s13  }
0x1d: {  	(v2sf) =	vpush v3, $0x1;
	s16 =	smulhi.u32 $0x14F8B589, s15;
	s15 =	sshra.s32 s15, $0x1F  }
0x1e: {  	s17 =	spop (v2sf);
	s15 =	smul.u32 $0x14F8B589, s15  }
0x1f: {  	(v2sf) =	vpush v3, $0x2;
	s18 =	smulhi.u32 $0x14F8B589, s17;
	s17 =	sshra.s32 s17, $0x1F  }
0x20: {  	(v2sf) =	vpush v3, $0x3;
	s19 =	spop (v2sf);
	s17 =	smul.u32 $0x14F8B589, s17  }
0x21: {  	(v2sf) =	vpush v3, $0x4;
	s20 =	smulhi.u32 $0x14F8B589, s19;
	s19 =	sshra.s32 s19, $0x1F  }
0x22: {  	(v2sf) =	vpush v3, $0x5;
	s21 =	spop (v2sf);
	s19 =	smul.u32 $0x14F8B589, s19  }
0x23: {  	(v2sf) =	vpush v3, $0x6;
	s23 =	smulhi.u32 $0x14F8B589, s21;
	s21 =	sshra.s32 s21, $0x1F  }
0x24: {  	(v2sf) =	vpush v3, $0x7;
	s22 =	spop (v2sf);
	s21 =	smul.u32 $0x14F8B589, s21  }
0x25: {  	s28 =	smulhi.u32 $0x14F8B589, s22;
	s22 =	sshra.s32 s22, $0x1F  }
0x26: {  	s14 =	sadd.s32 s13, s14;
	s24 =	spop (v2sf);
	s22 =	smul.u32 $0x14F8B589, s22  }
0x27: {  	s31 =	sshrl.u32 s14, $0x1F;
	s30 =	smulhi.u32 $0x14F8B589, s24;
	s9 =	sshra.s32 s24, $0x1F  }
0x28: {  	s16 =	sadd.s32 s15, s16;
	s25 =	spop (v2sf);
	s1 =	smul.u32 $0x14F8B589, s9  }
0x29: {  	s15 =	sadd.s32 s17, s18;
	s2 =	smulhi.u32 $0x14F8B589, s25;
	s4 =	sshra.s32 s25, $0x1F  }
0x2a: {  	s13 =	sadd.s32 s19, s20;
	s26 =	spop (v2sf);
	s9 =	smul.u32 $0x14F8B589, s4  }
0x2b: {  	s25 =	sshrl.u32 s16, $0x1F;
	s20 =	smulhi.u32 $0x14F8B589, s26;
	s5 =	sshra.s32 s26, $0x1F  }
0x2c: {  	s17 =	sadd.s32 s21, s23;
	s29 =	spop (v2sf);
	s5 =	smul.u32 $0x14F8B589, s5  }
0x2d: {  	s26 =	sshrl.u32 s15, $0x1F;
	s23 =	smulhi.u32 $0x14F8B589, s29;
	s6 =	sshra.s32 s29, $0x1F  }
0x2e: {  	s21 =	sadd.s32 s22, s28;
	s10 =	spop (v2sf);
	s22 =	smul.u32 $0x14F8B589, s6  }
0x2f: {  	s28 =	smulhi.u32 $0x14F8B589, s10;
	s24 =	sshra.s32 s10, $0x1F;
	s7 =	spop (v2sf)  }
0x30: {  	s18 =	sadd.s32 s1, s30;
	s1 =	smul.u32 $0x14F8B589, s24;
	s29 =	spop (v2sf)  }
0x31: {  	s30 =	smulhi.u32 $0x14F8B589, s7;
	s6 =	sshra.s32 s7, $0x1F;
	s24 =	spop (v2sf)  }
0x32: {  	s19 =	sadd.s32 s9, s2;
	s2 =	smul.u32 $0x14F8B589, s6;
	s7 =	spop (v2sf)  }
0x33: {  	s22 =	sadd.s32 s22, s23;
	s23 =	smulhi.u32 $0x14F8B589, s29;
	s10 =	spop (v2sf)  }
0x34: {  	s4 =	sshrl.u32 s13, $0x1F;
	s9 =	smulhi.u32 $0x14F8B589, s10;
	s6 =	sshra.s32 s10, $0x1F  }
0x35: {  	vm14 =	vcmask $0x300;
	vm13 =	vmmov vm8;
	s5 =	sadd.s32 s5, s20;
	s29 =	sshra.s32 s29, $0x1F;
	s6 =	smul.u32 $0x14F8B589, s6  }
0x36: {  	vm8 =	vmmov vm0;
	vm0 =	vmmov vm12;
	v5 =	vmov s25;
	s1 =	sadd.s32 s1, s28;
	s28 =	sshrl.u32 s21, $0x1F;
	s29 =	smul.u32 $0x14F8B589, s29  }
0x37: {  	vm12 =	vmmov vm11;
	vm11 =	vmmov vm10;
	v5 =	vsel vm15, s31, v5;
	s31 =	sshra.s32 s22, $0xC;
	s25 =	smulhi.u32 $0x14F8B589, s24;
	s20 =	sadd.s32 s6, s9  }
0x38: {  	vm10 =	vmmov vm7;
	vm7 =	vcmask $0x704;
	v5 =	vsel vm1, s26, v5;
	s24 =	sshra.s32 s24, $0x1F;
	s2 =	sadd.s32 s2, s30;
	s9 =	sshra.s32 s20, $0x1F  }
0x39: {  	v5 =	vsel vm2, s4, v5;
	v7 =	vmov s28;
	s30 =	sshrl.u32 s5, $0x1F;
	s10 =	sshrl.u32 s17, $0x1F;
	v4 =	vmov s9;
	s9 =	sshra.s32 s5, $0xC  }
0x3a: {  	s24 =	smul.u32 $0x14F8B589, s24;
	v6 =	vmov s30;
	v7 =	vsel vm15, s10, v7;
	s6 =	sshrl.u32 s18, $0x1F;
	s5 =	sshra.s32 s5, $0x1F;
	v4 =	vsel vm14, s9, v4  }
0x3b: {  	s4 =	smulhi.u32 $0x14F8B589, s7;
	s23 =	sadd.s32 s29, s23;
	s29 =	sshrl.u32 s19, $0x1F;
	v6 =	vnsel vm14, $0x0, v6;
	v7 =	vsel vm1, s6, v7;
	v4 =	vsel vm7, s5, v4  }
0x3c: {  	s10 =	sshra.s32 s21, $0xC;
	v7 =	vsel vm2, s29, v7;
	s9 =	sshrl.u32 s22, $0x1F;
	s22 =	sshra.s32 s22, $0x1F;
	vm7 =	vcmask $0xF0C;
	v4 =	vsel vm15, s31, v4  }
0x3d: {  	s7 =	sshra.s32 s7, $0x1F;
	s30 =	sshrl.u32 s1, $0x1F;
	v8 =	vmov s10;
	v5 =	vcombine.low v7, v5;
	s31 =	sshra.s32 s1, $0xC;
	v4 =	vsel vm7, s22, v4  }
0x3e: {  	s7 =	smul.u32 $0x14F8B589, s7;
	v6 =	vsel vm15, s9, v6;
	s9 =	sshra.s32 s16, $0xC;
	s1 =	sshra.s32 s1, $0x1F;
	vm7 =	vcmask $0x1714;
	v4 =	vsel vm1, s31, v4  }
0x3f: {  	s26 =	sadd.s32 s24, s25;
	s21 =	sshra.s32 s14, $0xC;
	v6 =	vsel vm1, s30, v6;
	s30 =	sshra.s32 s2, $0xC;
	v58 =	vmov s9;
	v4 =	vsel vm7, s1, v4  }
0x40: {  	s24 =	sshra.s32 s15, $0xC;
	s22 =	sshrl.u32 s2, $0x1F;
	s2 =	sshra.s32 s2, $0x1F;
	v7 =	vsel vm15, s21, v58;
	vm7 =	vcmask $0x1F1C;
	v4 =	vsel vm2, s30, v4  }
0x41: {  	s28 =	sshrl.u32 s23, $0x1F;
	s4 =	sadd.s32 s7, s4;
	s7 =	sshra.s32 s23, $0xC;
	v6 =	vsel vm2, s22, v6;
	v7 =	vsel vm1, s24, v7;
	v4 =	vsel vm7, s2, v4  }
0x42: {  	s16 =	sshra.s32 s23, $0x1F;
	s31 =	sshrl.u32 s26, $0x1F;
	s22 =	sshra.s32 s17, $0xC;
	v6 =	vsel vm3, s28, v6;
	vm7 =	vcmask $0x2724;
	v4 =	vsel vm3, s7, v4  }
0x43: {  	s25 =	sshra.s32 s18, $0xC;
	s23 =	sshra.s32 s26, $0xC;
	v8 =	vsel vm15, s22, v8;
	v6 =	vsel vm4, s31, v6;
	v4 =	vsel vm7, s16, v4  }
0x44: {  	s6 =	sshrl.u32 s4, $0x1F;
	s26 =	sshra.s32 s26, $0x1F;
	s28 =	sshra.s32 s13, $0xC;
	v8 =	vsel vm1, s25, v8;
	vm1 =	vcmask $0x2F2C;
	v4 =	vsel vm4, s23, v4  }
0x45: {  	s29 =	sshra.s32 s19, $0xC;
	s30 =	sshra.s32 s4, $0xC;
	v7 =	vsel vm2, s28, v7;
	v6 =	vsel vm5, s6, v6;
	v4 =	vsel vm1, s26, v4  }
0x46: {  	s5 =	sshra.s32 s4, $0x1F;
	s31 =	sshrl.u32 s20, $0x1F;
	v8 =	vsel vm2, s29, v8;
	vm1 =	vcmask $0x3734;
	v4 =	vsel vm5, s30, v4  }
0x47: {  	v7 =	vcombine.low v8, v7;
	v6 =	vsel vm6, s31, v6;
	s7 =	sshra.s32 s20, $0xC;
	v4 =	vsel vm1, s5, v4  }
0x48: {  	v5 =	vperm.xlane v5, v0;
	v6 =	vperm.xlane v6, v1;
	v4 =	vsel vm6, s7, v4  }
0x49: {  	v7 =	vperm.xlane v7, v0;
	v4 =	vperm.xlane v4, v1;
	_ =	sdelay $0x1  }
0x4a: {  	v5 =	vsel vm9, v6, v5;
	v4 =	vsel vm9, v4, v7  }
0x4b: {  	v4 =	vadd.s32 v5, v4  }
0x4c: {  	v5 =	vmul.u32 $0xFFFF3CB0, v4;
	_ =	sdelay $0x1  }
0x4d: {  	v59 =	vld [tilespmem:$0x1FFE0];
	v5 =	vadd.s32 v3, v5  }
0x4e: {  	vm14 =	vlt.s32 v3, $0x1;
	vm2 =	vmmov vm15;
	vm15 =	vne.s32 v5, $0x0  }
0x4f: {  	vm14 =	vmand vm14, vm15  }
0x50: {  	v3 =	vsel vm14, $0xFFFFFFFF, v2  }
0x51: {  	vm14 =	vlt.s32 v5, $0x0;
	v4 =	vadd.s32 v3, v4;
	v3 =	vadd.s32 $0xC350, v5  }
0x52: {  	v3 =	vsel vm14, v3, v5;
	vm14 =	vnez.u8 v59  }
0x53: {  	v5 =	vnsel vm14, $0x0, v4  }
0x54: {  	v60 =	vnsel vm14, $0x0, v3;
	(xrf0) =	vadd.scan.msk.s32 $0xffff, v5  }
0x55: {  	(xrf0) =	vadd.scan.msk.s32 $0xffff, v60;
	_ =	sdelay $0x1  }
0x56: {  	vm7 =	vmmov vm6;
	vm6 =	vmmov vm5  }
0x57: {  	vm5 =	vmmov vm6;
	vm6 =	vmmov vm7;
	vm7 =	vmmov vm10  }
0x58: {  	v63 =	vsel vm7, $0x0, v4  }
0x59: {  	v8 =	vsel vm7, $0x0, v3;
	v61, _, _ =	vpop (xrf0);
	(xrf0) =	vadd.scan.msk.s32 $0xffff, v63  }
0x5a: {  	(v2sf) =	vpush v61, $0xF;
	v62, _, _ =	vpop (xrf0);
	(xrf0) =	vadd.scan.msk.s32 $0xffff, v8  }
0x5b: {  	(v2sf) =	vpush v62, $0xF;
	_ =	sdelay $0x3  }
0x5c: {  	v9, _, _ =	vpop (xrf0)  }
0x5d: {  	(v2sf) =	vpush v9, $0xF;
	v10, _, _ =	vpop (xrf0)  }
0x5e: {  	vm10 =	vmmov vm11;
	(v2sf) =	vpush v10, $0xF  }
0x5f: {  	v11 =	vsel vm10, $0x0, v4  }
0x60: {  	v12 =	vsel vm10, $0x0, v3;
	(xrf0) =	vadd.scan.msk.s32 $0xffff, v11  }
0x61: {  	(xrf0) =	vadd.scan.msk.s32 $0xffff, v12;
	_ =	sdelay $0x2  }
0x62: {  	vm11 =	vmmov vm12  }
0x63: {  	v15 =	vsel vm11, $0x0, v4  }
0x64: {  	v16 =	vsel vm11, $0x0, v3;
	v13, _, _ =	vpop (xrf0);
	(xrf0) =	vadd.scan.msk.s32 $0xffff, v15;
	s9 =	spop (v2sf)  }
0x65: {  	v14, _, _ =	vpop (xrf0);
	(xrf0) =	vadd.scan.msk.s32 $0xffff, v16;
	(v2sf) =	vpush v13, $0xF;
	s10 =	spop (v2sf)  }
0x66: {  	s1 =	smul.u32 $0x61A800, s9;
	(v2sf) =	vpush v14, $0xF;
	s2 =	sshll.u32 s10, $0x7  }
0x67: {  	s13 =	sand.u32 $0xFFFFFC00, s2  }
0x68: {  	s2 =	sand.u32 $0x380, s2;
	s1 =	sadd.s32 s13, s1  }
0x69: {  	s1 =	sor.u32 s2, s1  }
0x6a: {  	v17, _, _ =	vpop (xrf0);
	s13 =	sshra.s32 s12, $0x2;
	s1 =	sshrl.u32 s1, $0x3;
	s15 =	spop (v2sf)  }
0x6b: {  	v18, _, _ =	vpop (xrf0);
	s14 =	sadd.s32 $0x80, s13;
	(v2sf) =	vpush v17, $0xF;
	s1 =	sadd.s32 s0, s1;
	s16 =	spop (v2sf)  }
0x6c: {  	vm12 =	vmmov vm0;
	(v2sf) =	vpush v18, $0xF;
	[tilespmem:s14], [sflag:$0x1] =	stream.linear.gather [hbm4b:s1+s3], $0x80, $0x38;
	[tilespmem:$0x4080] =	vst v63  }
0x6d: {  	v19 =	vsel vm12, $0x0, v4;
	s1 =	smul.u32 $0x61A800, s15;
	s2 =	sshll.u32 s16, $0x7  }
0x6e: {  	v20 =	vsel vm12, $0x0, v3;
	(xrf0) =	vadd.scan.msk.s32 $0xffff, v19;
	s17 =	sand.u32 $0xFFFFFC00, s2  }
0x6f: {  	(xrf0) =	vadd.scan.msk.s32 $0xffff, v20;
	s2 =	sand.u32 $0x380, s2;
	s1 =	sadd.s32 s17, s1  }
0x70: {  	s1 =	sor.u32 s2, s1  }
0x71: {  	s1 =	sshrl.u32 s1, $0x3  }
0x72: {  	vm0 =	vmmov vm8;
	s18 =	sadd.s32 $0x100, s13;
	s1 =	sadd.s32 s0, s1  }
0x73: {  	v23 =	vsel vm0, $0x0, v4;
	[tilespmem:s18], [sflag:$0x1] =	stream.linear.gather [hbm4b:s1+s3], $0x80, $0x38;
	[tilespmem:$0x4080] =	vst v63  }
0x74: {  	v24 =	vsel vm0, $0x0, v3;
	v21, _, _ =	vpop (xrf0);
	(xrf0) =	vadd.scan.msk.s32 $0xffff, v23;
	s19 =	spop (v2sf)  }
0x75: {  	v22, _, _ =	vpop (xrf0);
	(xrf0) =	vadd.scan.msk.s32 $0xffff, v24;
	(v2sf) =	vpush v21, $0xF;
	s20 =	spop (v2sf)  }
0x76: {  	s1 =	smul.u32 $0x61A800, s19;
	(v2sf) =	vpush v22, $0xF;
	s2 =	sshll.u32 s20, $0x7  }
0x77: {  	s21 =	sand.u32 $0xFFFFFC00, s2  }
0x78: {  	s2 =	sand.u32 $0x380, s2;
	s1 =	sadd.s32 s21, s1  }
0x79: {  	s1 =	sor.u32 s2, s1  }
0x7a: {  	v25, _, _ =	vpop (xrf0);
	s1 =	sshrl.u32 s1, $0x3;
	s23 =	spop (v2sf)  }
0x7b: {  	s22 =	sadd.s32 $0x180, s13;
	v26, _, _ =	vpop (xrf0);
	(v2sf) =	vpush v25, $0xF;
	s1 =	sadd.s32 s0, s1;
	s24 =	spop (v2sf)  }
0x7c: {  	vm8 =	vmmov vm13;
	(v2sf) =	vpush v26, $0xF;
	[tilespmem:s22], [sflag:$0x1] =	stream.linear.gather [hbm4b:s1+s3], $0x80, $0x38;
	[tilespmem:$0x4080] =	vst v63  }
0x7d: {  	v27 =	vsel vm8, $0x0, v4;
	s1 =	smul.u32 $0x61A800, s23;
	s2 =	sshll.u32 s24, $0x7  }
0x7e: {  	v28 =	vsel vm8, $0x0, v3;
	(xrf0) =	vadd.scan.msk.s32 $0xffff, v27;
	s25 =	sand.u32 $0xFFFFFC00, s2  }
0x7f: {  	(xrf0) =	vadd.scan.msk.s32 $0xffff, v28;
	s2 =	sand.u32 $0x380, s2;
	s1 =	sadd.s32 s25, s1  }
0x80: {  	s1 =	sor.u32 s2, s1  }
0x81: {  	s1 =	sshrl.u32 s1, $0x3  }
0x82: {  	vm13 =	vcmask $0x1B20;
	s26 =	sadd.s32 $0x200, s13;
	s1 =	sadd.s32 s0, s1  }
0x83: {  	v31 =	vsel vm13, $0x0, v4;
	[tilespmem:s26], [sflag:$0x1] =	stream.linear.gather [hbm4b:s1+s3], $0x80, $0x38;
	[tilespmem:$0x4080] =	vst v63  }
0x84: {  	v32 =	vsel vm13, $0x0, v3;
	v29, _, _ =	vpop (xrf0);
	(xrf0) =	vadd.scan.msk.s32 $0xffff, v31;
	s28 =	spop (v2sf)  }
0x85: {  	v30, _, _ =	vpop (xrf0);
	(xrf0) =	vadd.scan.msk.s32 $0xffff, v32;
	(v2sf) =	vpush v29, $0xF;
	s29 =	spop (v2sf)  }
0x86: {  	s1 =	smul.u32 $0x61A800, s28;
	(v2sf) =	vpush v30, $0xF;
	s2 =	sshll.u32 s29, $0x7  }
0x87: {  	s30 =	sand.u32 $0xFFFFFC00, s2  }
0x88: {  	s2 =	sand.u32 $0x380, s2;
	s1 =	sadd.s32 s30, s1  }
0x89: {  	s1 =	sor.u32 s2, s1  }
0x8a: {  	v33, _, _ =	vpop (xrf0);
	s1 =	sshrl.u32 s1, $0x3;
	s2 =	spop (v2sf)  }
0x8b: {  	s31 =	sadd.s32 $0x280, s13;
	v34, _, _ =	vpop (xrf0);
	(v2sf) =	vpush v33, $0xF;
	s1 =	sadd.s32 s0, s1;
	s4 =	spop (v2sf)  }
0x8c: {  	vm13 =	vcmask $0x1F24;
	(v2sf) =	vpush v34, $0xF;
	[tilespmem:s31], [sflag:$0x1] =	stream.linear.gather [hbm4b:s1+s3], $0x80, $0x38;
	[tilespmem:$0x4080] =	vst v63  }
0x8d: {  	v35 =	vsel vm13, $0x0, v4;
	s1 =	smul.u32 $0x61A800, s2;
	s2 =	sshll.u32 s4, $0x7  }
0x8e: {  	v36 =	vsel vm13, $0x0, v3;
	(xrf0) =	vadd.scan.msk.s32 $0xffff, v35;
	s5 =	sand.u32 $0xFFFFFC00, s2  }
0x8f: {  	(xrf0) =	vadd.scan.msk.s32 $0xffff, v36;
	s2 =	sand.u32 $0x380, s2;
	s1 =	sadd.s32 s5, s1  }
0x90: {  	s1 =	sor.u32 s2, s1  }
0x91: {  	s1 =	sshrl.u32 s1, $0x3  }
0x92: {  	vm13 =	vcmask $0x2328;
	s6 =	sadd.s32 $0x300, s13;
	s1 =	sadd.s32 s0, s1  }
0x93: {  	v39 =	vsel vm13, $0x0, v4;
	[tilespmem:s6], [sflag:$0x1] =	stream.linear.gather [hbm4b:s1+s3], $0x80, $0x38;
	[tilespmem:$0x4080] =	vst v63  }
0x94: {  	v40 =	vsel vm13, $0x0, v3;
	v37, _, _ =	vpop (xrf0);
	(xrf0) =	vadd.scan.msk.s32 $0xffff, v39;
	s7 =	spop (v2sf)  }
0x95: {  	v38, _, _ =	vpop (xrf0);
	(xrf0) =	vadd.scan.msk.s32 $0xffff, v40;
	(v2sf) =	vpush v37, $0xF;
	s9 =	spop (v2sf)  }
0x96: {  	s1 =	smul.u32 $0x61A800, s7;
	(v2sf) =	vpush v38, $0xF;
	s2 =	sshll.u32 s9, $0x7  }
0x97: {  	s10 =	sand.u32 $0xFFFFFC00, s2  }
0x98: {  	s2 =	sand.u32 $0x380, s2;
	s1 =	sadd.s32 s10, s1  }
0x99: {  	s1 =	sor.u32 s2, s1  }
0x9a: {  	v41, _, _ =	vpop (xrf0);
	s1 =	sshrl.u32 s1, $0x3;
	s15 =	spop (v2sf)  }
0x9b: {  	s14 =	sadd.s32 $0x380, s13;
	v42, _, _ =	vpop (xrf0);
	(v2sf) =	vpush v41, $0xF;
	s1 =	sadd.s32 s0, s1;
	s16 =	spop (v2sf)  }
0x9c: {  	vm13 =	vcmask $0x272C;
	(v2sf) =	vpush v42, $0xF;
	[tilespmem:s14], [sflag:$0x1] =	stream.linear.gather [hbm4b:s1+s3], $0x80, $0x38;
	[tilespmem:$0x4080] =	vst v63  }
0x9d: {  	v43 =	vsel vm13, $0x0, v4;
	s1 =	smul.u32 $0x61A800, s15;
	s2 =	sshll.u32 s16, $0x7  }
0x9e: {  	v44 =	vsel vm13, $0x0, v3;
	(xrf0) =	vadd.scan.msk.s32 $0xffff, v43;
	s17 =	sand.u32 $0xFFFFFC00, s2  }
0x9f: {  	(xrf0) =	vadd.scan.msk.s32 $0xffff, v44;
	s2 =	sand.u32 $0x380, s2;
	s1 =	sadd.s32 s17, s1  }
0xa0: {  	s1 =	sor.u32 s2, s1  }
0xa1: {  	s1 =	sshrl.u32 s1, $0x3  }
0xa2: {  	vm13 =	vcmask $0x2B30;
	s18 =	sadd.s32 $0x400, s13;
	s1 =	sadd.s32 s0, s1  }
0xa3: {  	v47 =	vsel vm13, $0x0, v4;
	[tilespmem:s18], [sflag:$0x1] =	stream.linear.gather [hbm4b:s1+s3], $0x80, $0x38;
	[tilespmem:$0x4080] =	vst v63  }
0xa4: {  	v48 =	vsel vm13, $0x0, v3;
	v45, _, _ =	vpop (xrf0);
	(xrf0) =	vadd.scan.msk.s32 $0xffff, v47;
	s19 =	spop (v2sf)  }
0xa5: {  	v46, _, _ =	vpop (xrf0);
	(xrf0) =	vadd.scan.msk.s32 $0xffff, v48;
	(v2sf) =	vpush v45, $0xF;
	s20 =	spop (v2sf)  }
0xa6: {  	s1 =	smul.u32 $0x61A800, s19;
	(v2sf) =	vpush v46, $0xF;
	s2 =	sshll.u32 s20, $0x7  }
0xa7: {  	s21 =	sand.u32 $0xFFFFFC00, s2  }
0xa8: {  	s2 =	sand.u32 $0x380, s2;
	s1 =	sadd.s32 s21, s1  }
0xa9: {  	vm13 =	vcmask $0x2F34;
	s1 =	sor.u32 s2, s1  }
0xaa: {  	v49 =	vsel vm13, $0x0, v4;
	v50, _, _ =	vpop (xrf0);
	s1 =	sshrl.u32 s1, $0x3;
	s23 =	spop (v2sf)  }
0xab: {  	s22 =	sadd.s32 $0x480, s13;
	(xrf0) =	vadd.scan.msk.s32 $0xffff, v49;
	v52, _, _ =	vpop (xrf0);
	(v2sf) =	vpush v50, $0xF;
	s1 =	sadd.s32 s0, s1;
	s24 =	spop (v2sf)  }
0xac: {  	(v2sf) =	vpush v52, $0xF;
	[tilespmem:s22], [sflag:$0x1] =	stream.linear.gather [hbm4b:s1+s3], $0x80, $0x38;
	[tilespmem:$0x4080] =	vst v63  }
0xad: {  	v51 =	vsel vm13, $0x0, v3;
	s1 =	smul.u32 $0x61A800, s23;
	s2 =	sshll.u32 s24, $0x7  }
0xae: {  	(xrf0) =	vadd.scan.msk.s32 $0xffff, v51;
	s25 =	sand.u32 $0xFFFFFC00, s2  }
0xaf: {  	s2 =	sand.u32 $0x380, s2;
	s1 =	sadd.s32 s25, s1  }
0xb0: {  	vm13 =	vcmask $0x3338;
	s1 =	sor.u32 s2, s1  }
0xb1: {  	v55 =	vsel vm13, $0x0, v4;
	s1 =	sshrl.u32 s1, $0x3  }
0xb2: {  	s26 =	sadd.s32 $0x500, s13;
	v53, _, _ =	vpop (xrf0);
	(xrf0) =	vadd.scan.msk.s32 $0xffff, v55;
	s1 =	sadd.s32 s0, s1  }
0xb3: {  	v56 =	vsel vm13, $0x0, v3;
	(v2sf) =	vpush v53, $0xF;
	[tilespmem:s26], [sflag:$0x1] =	stream.linear.gather [hbm4b:s1+s3], $0x80, $0x38;
	[tilespmem:$0x4080] =	vst v63  }
0xb4: {  	v54, _, _ =	vpop (xrf0);
	(xrf0) =	vadd.scan.msk.s32 $0xffff, v56;
	s28 =	spop (v2sf)  }
0xb5: {  	(v2sf) =	vpush v54, $0xF;
	s29 =	spop (v2sf)  }
0xb6: {  	s1 =	smul.u32 $0x61A800, s28;
	s2 =	sshll.u32 s29, $0x7  }
0xb7: {  	s30 =	sand.u32 $0xFFFFFC00, s2  }
0xb8: {  	vm13 =	vcmask $0x373C;
	s2 =	sand.u32 $0x380, s2;
	s1 =	sadd.s32 s30, s1  }
0xb9: {  	v58 =	vsel vm13, $0x0, v4;
	v57, _, _ =	vpop (xrf0);
	s1 =	sor.u32 s2, s1  }
0xba: {  	v60 =	vld [tilespmem:$0x1FFF0];
	v59 =	vsel vm13, $0x0, v3;
	(xrf0) =	vadd.scan.msk.s32 $0xffff, v58;
	v61, _, _ =	vpop (xrf0);
	(v2sf) =	vpush v57, $0xF;
	s1 =	sshrl.u32 s1, $0x3;
	s2 =	spop (v2sf)  }
0xbb: {  	s31 =	sadd.s32 $0x580, s13;
	(xrf0) =	vadd.scan.msk.s32 $0xffff, v59;
	(v2sf) =	vpush v61, $0xF;
	s1 =	sadd.s32 s0, s1;
	s4 =	spop (v2sf)  }
0xbc: {  	[tilespmem:s31], [sflag:$0x1] =	stream.linear.gather [hbm4b:s1+s3], $0x80, $0x38;
	[tilespmem:$0x4080] =	vst v63  }
0xbd: {  	s1 =	smul.u32 $0x61A800, s2;
	s2 =	sshll.u32 s4, $0x7  }
0xbe: {  	s5 =	sand.u32 $0xFFFFFC00, s2  }
0xbf: {  	vm13 =	vnez.u8 v60;
	s2 =	sand.u32 $0x380, s2;
	s1 =	sadd.s32 s5, s1  }
0xc0: {  	v4 =	vsel vm13, $0x0, v4;
	s1 =	sor.u32 s2, s1  }
0xc1: {  	v3 =	vsel vm13, $0x0, v3;
	v62, _, _ =	vpop (xrf0);
	(xrf0) =	vadd.scan.msk.s32 $0xffff, v4;
	s1 =	sshrl.u32 s1, $0x3  }
0xc2: {  	s7 =	sadd.s32 $0x600, s13;
	v63, _, _ =	vpop (xrf0);
	(xrf0) =	vadd.scan.msk.s32 $0xffff, v3;
	s6 =	spop (v2sf);
	(v2sf) =	vpush v62, $0xF;
	s1 =	sadd.s32 s0, s1  }
0xc3: {  	[tilespmem:s7], [sflag:$0x1] =	stream.linear.gather [hbm4b:s1+s3], $0x80, $0x38;
	[tilespmem:$0x4080] =	vst v63  }
0xc4: {  	s9 =	spop (v2sf);
	(v2sf) =	vpush v63, $0xF  }
0xc5: {  	s10 =	smul.u32 $0x61A800, s6;
	s14 =	sshll.u32 s9, $0x7  }
0xc6: {  	s15 =	sand.u32 $0xFFFFFC00, s14  }
0xc7: {  	s2 =	sand.u32 $0x380, s14;
	s1 =	sadd.s32 s15, s10  }
0xc8: {  	v3, _, _ =	vpop (xrf0);
	s1 =	sor.u32 s2, s1  }
0xc9: {  	s17 =	spop (v2sf);
	(v2sf) =	vpush v3, $0xF;
	v3, _, _ =	vpop (xrf0);
	s1 =	sshrl.u32 s1, $0x3  }
0xca: {  	s16 =	sadd.s32 $0x680, s13;
	s1 =	sadd.s32 s0, s1;
	s18 =	spop (v2sf);
	(v2sf) =	vpush v3, $0xF  }
0xcb: {  	[tilespmem:s16], [sflag:$0x1] =	stream.linear.gather [hbm4b:s1+s3], $0x80, $0x38;
	[tilespmem:$0x4080] =	vst v63  }
0xcc: {  	s19 =	smul.u32 $0x61A800, s17;
	s1 =	sshll.u32 s18, $0x7  }
0xcd: {  	s20 =	sand.u32 $0xFFFFFC00, s1  }
0xce: {  	s1 =	sand.u32 $0x380, s1;
	s2 =	sadd.s32 s20, s19  }
0xcf: {  	s1 =	sor.u32 s1, s2  }
0xd0: {  	s1 =	sshrl.u32 s1, $0x3  }
0xd1: {  	s23 =	sadd.s32 $0x700, s13;
	s21 =	spop (v2sf);
	s1 =	sadd.s32 s0, s1  }
0xd2: {  	[tilespmem:s23], [sflag:$0x1] =	stream.linear.gather [hbm4b:s1+s3], $0x80, $0x38;
	[tilespmem:$0x4080] =	vst v63  }
0xd3: {  	s22 =	spop (v2sf)  }
0xd4: {  	s24 =	smul.u32 $0x61A800, s21;
	s25 =	sshll.u32 s22, $0x7  }
0xd5: {  	s4 =	sand.u32 $0xFFFFFC00, s25  }
0xd6: {  	s2 =	sand.u32 $0x380, s25;
	s1 =	sadd.s32 s4, s24  }
0xd7: {  	s1 =	sor.u32 s2, s1  }
0xd8: {  	s26 =	spop (v2sf);
	s1 =	sshrl.u32 s1, $0x3  }
0xd9: {  	s28 =	sadd.s32 $0x780, s13;
	s1 =	sadd.s32 s0, s1;
	s29 =	spop (v2sf)  }
0xda: {  	[tilespmem:s28], [sflag:$0x1] =	stream.linear.gather [hbm4b:s1+s3], $0x80, $0x38;
	[tilespmem:$0x4080] =	vst v63  }
0xdb: {  	s2 =	smul.u32 $0x61A800, s26;
	s1 =	sshll.u32 s29, $0x7  }
0xdc: {  	p0 =	sne.s32 s12, $0xE000;
	s30 =	sand.u32 $0xFFFFFC00, s1  }
.Ltmp0:
0xdd: {  	s1 =	sand.u32 $0x380, s1;
	s2 =	sadd.s32 s30, s2;
	(pc) =	sbr.rel @p0 .LBB2_2-.Ltmp0, $4  }
0xde: {  	s1 =	sor.u32 s1, s2  }
0xdf: {  	s11 =	sadd.s32 $0x10, s11;
	s1 =	sshrl.u32 s1, $0x3  }
0xe0: {  	s12 =	sadd.s32 $0x2000, s12;
	s31 =	sadd.s32 $0x800, s13;
	s1 =	sadd.s32 s0, s1  }
0xe1: {  	vm1 =	vcmask $0x1310;
	vm15 =	vmmov vm2;
	vm2 =	vcmask $0x1B18;
	[tilespmem:s31], [sflag:$0x1] =	stream.linear.gather [hbm4b:s1+s3], $0x80, $0x38;
	[tilespmem:$0x4080] =	vst v63  }
0xe2: {  	_ =	swait.ge [sflag:s8], $0x80  }
0xe3: {  	s11 =	simm.s32 $0x7F;
	[sflag:s8] =	ssyncset.done $0x0  }
.LBB2_4:
0xe4: {  	p0 =	sne.s32 s11, $0x1;
	s11 =	sadd.s32 $0xFFFFFFFF, s11;
	[sflag:s8] =	ssyncadd.s32 $0xFFFFFF80  }
.Ltmp1:
0xe5: {  	(pc) =	sbr.rel @p0 .LBB2_4-.Ltmp1, $3  }
0xe6: {  	_ =	sdelay $0x1  }
0xe7: {  	_ =	swait.ge [sflag:s8], $0x80  }
0xe8: {  	[sflag:s8] =	ssyncset.done $0x0  }
0xe9: {  	[sflag:s8] =	ssyncadd.s32 $0xFFFFFF80;
	s1 =	rddreg [dreg:$0x5];
	s2 =	simm.s32 $0x80  }
0xea: {  	[hbm4b:s1+s3] =	stream.linear.scatter [tilespmem:s2], [sflag:$0x2], $0x4000, $0x38;
	[tilespmem:$0x4080] =	vst v63  }
0xeb: {  	s2 =	simm.s32 $0x2  }
0xec: {  	_ =	swait.ge [sflag:s2], $0x4000  }
0xed: {  	s4 =	rddreg [dreg:$0x7]  }
0xee: {  	s31 =	rddreg [dreg:$0x6];
	s4 =	sadd.s32 $0x1, s4  }
0xef: {  	p0 =	sne.s32 s4, s31  }
.Ltmp2:
0xf0: {  	_ = 	snop;
	(pc) =	sbr.rel @p0 .LBB2_1-.Ltmp2, $3  }
0xf1: {  	_ =	sdelay $0x1  }
0xf2: {  	[sflag:s2] =	ssyncset.done $0x0  }
0xf3: {  	[sflag:s2] =	ssyncadd.s32 $0xFFFFC000  }
0xf4: {  	_ =	sfence.sel $0x180000  }
0xf5: {  	[bflag:$0x0] =	sbarrier.arrive $0xFFFF  }
0xf6: {  	_ =	strace $0x90000047  }
0xf7: {  	s0 =	stileid.u32;
	[bflag:$0x2] =	sbarrier.arrive $0xFFFF  }
0xf8: {  	p0 =	sne.s32 s0, $0x0;
	s0 =	rddreg [dreg:$0x3]  }
0xf9: {  	s0 =	sadd.s32 @!p0 $0x100000, s0  }
0xfa: {  	[sflag:s0] =	ssyncadd.tile.s32 @!p0 $0x1;
	_ =	shalt  }
.Lfunc_end2:
_tile_overlayer_lowered:
.L_overlay_start_2:
0xfb: {  	(tag) =	ssettag $0x2  }
0xfc: {  	s0 =	rddreg [dreg:$0x0];
	s2 =	stileid.u32  }
0xfd: {  	s1 =	rddreg [dreg:$0x1];
	p0 =	sne.s32 s2, $0x0  }
0xfe: {  	s3 =	rddreg [dreg:$0x2];
	[bflag:$0x3] =	sbarrier.arrive $0xFFFF;
	s2 =	simm.s32 @!p0 $0x1C02  }
0xff: {  	[timem:s3], [sflag:s2] =	dma.local @!p0 [hbm:s0], s1  }
0x100: {  	s0 =	simm.s32 @!p0 $0x2  }
0x101: {  	_ =	swait.ge @!p0 [sflag:s0], s1  }
0x102: {  	s1 =	ssub.s32 @!p0 $0x0, s1;
	[sflag:s0] =	ssyncset.done @!p0 $0x0  }
0x103: {  	[sflag:s0] =	ssyncadd.s32 @!p0 s1  }
0x104: {  	[bflag:$0x3] =	sbarrier.arrive $0xFFFF  }
0x105: {  	_ =	shalt  }

</sc_bundles>
